<compile_context>
chip_gen: v7x
topology: tpu7x:2x2x1
jax: 0.10.2.dev20260603
libtpu: 0.0.44.dev20260713+nightly
codegen_flags: <defaults>
</compile_context>

<pallas_src>
import functools
import math

import jax
import jax.numpy as jnp
from jax import lax
from jax.experimental import pallas as pl
from jax.experimental.pallas import tpu as pltpu
from jax.experimental.pallas import tpu_sc as plsc

B = 16384
ED = 16
NUM_TABLES = 5
INPUT_DIM = 4 + NUM_TABLES * ED
HIDDEN = int(math.ceil((INPUT_DIM + 1) * 0.67))
OUT_DIM = 2

NC = 2
NS = 16
NW = NC * NS
BPW = B // NW
CHUNK = 128
NCH = BPW // CHUNK
NIR = NUM_TABLES * NCH

G = 8
BG = B // G
GBLK = 256
H8 = G * HIDDEN
O8 = G * OUT_DIM


def _sc_gather(bin_t, bout_t, pin_t, pout_t, proto_t, idx):
    mesh = plsc.VectorSubcoreMesh(
        core_axis_name="c", subcore_axis_name="s", num_cores=NC, num_subcores=NS
    )

    @functools.partial(
        pl.kernel,
        out_type=jax.ShapeDtypeStruct((NUM_TABLES, B, ED), jnp.float32),
        mesh=mesh,
        scratch_types=[
            pltpu.VMEM((NUM_TABLES, BPW), jnp.int32),
            pltpu.VMEM((NUM_TABLES, BPW, ED), jnp.float32),
            pltpu.SemaphoreType.DMA,
        ],
        compiler_params=pltpu.CompilerParams(
            use_tc_tiling_on_sc=False, needs_layout_passes=False
        ),
    )
    def k(bin_h, bout_h, pin_h, pout_h, proto_h, idx_h, out_h, idx_v,
          rows_v, sem):
        wid = lax.axis_index("s") * NC + lax.axis_index("c")
        base = wid * BPW
        pltpu.sync_copy(idx_h.at[:, pl.ds(base, BPW)], idx_v)
        tables = (bin_h, bout_h, pin_h, pout_h, proto_h)
        copies = []
        for j, tab in enumerate(tables):
            for c in range(NCH):
                copies.append(
                    pltpu.async_copy(
                        tab.at[idx_v.at[j, pl.ds(c * CHUNK, CHUNK)]],
                        rows_v.at[j, pl.ds(c * CHUNK, CHUNK)],
                        sem,
                    )
                )
        for cp in copies:
            cp.wait()
        for j in range(NUM_TABLES):
            pltpu.sync_copy(rows_v.at[j], out_h.at[j, pl.ds(base, BPW)])

    return k(bin_t, bout_t, pin_t, pout_t, proto_t, idx)


def _tc_mlp(xp, e, W1xp, W1ep, b1p, W2p, b2p, W3p, b3p):
    def body(xp_ref, e_ref, w1x_ref, w1e_ref, b1_ref, w2_ref, b2_ref, w3_ref,
             b3_ref, o_ref):
        h = jnp.dot(xp_ref[:], w1x_ref[:], preferred_element_type=jnp.float32)
        for j in range(NUM_TABLES):
            h = h + jnp.dot(e_ref[j], w1e_ref[j],
                            preferred_element_type=jnp.float32)
        h = jnp.maximum(h + b1_ref[:], 0.0)
        h = jnp.maximum(
            jnp.dot(h, w2_ref[:], preferred_element_type=jnp.float32) + b2_ref[:],
            0.0,
        )
        o_ref[:] = (
            jnp.dot(h, w3_ref[:], preferred_element_type=jnp.float32) + b3_ref[:]
        )

    return pl.pallas_call(
        body,
        grid=(BG // GBLK,),
        in_specs=[
            pl.BlockSpec((GBLK, G * 4), lambda i: (i, 0)),
            pl.BlockSpec((NUM_TABLES, GBLK, 128), lambda i: (0, i, 0)),
            pl.BlockSpec((G * 4, H8), lambda i: (0, 0)),
            pl.BlockSpec((NUM_TABLES, 128, H8), lambda i: (0, 0, 0)),
            pl.BlockSpec((1, H8), lambda i: (0, 0)),
            pl.BlockSpec((H8, H8), lambda i: (0, 0)),
            pl.BlockSpec((1, H8), lambda i: (0, 0)),
            pl.BlockSpec((H8, O8), lambda i: (0, 0)),
            pl.BlockSpec((1, O8), lambda i: (0, 0)),
        ],
        out_specs=pl.BlockSpec((GBLK, O8), lambda i: (i, 0)),
        out_shape=jax.ShapeDtypeStruct((BG, O8), jnp.float32),
    )(xp, e, W1xp, W1ep, b1p, W2p, b2p, W3p, b3p)


def kernel(x, bin_table, bout_table, pin_table, pout_table, proto_table,
           W1, b1, W2, b2, W3, b3):
    idx = x[:, 4:9].astype(jnp.int32).T
    e = _sc_gather(bin_table, bout_table, pin_table, pout_table, proto_table,
                   idx)
    e = e.reshape(NUM_TABLES, BG, G * ED)
    xp = x[:, 0:4].reshape(BG, G * 4)
    eye8 = jnp.eye(G, dtype=jnp.float32)
    W1xp = jnp.kron(eye8, W1[0:4])
    W1ep = jax.vmap(lambda w: jnp.kron(eye8, w))(
        W1[4:].reshape(NUM_TABLES, ED, HIDDEN)
    )
    W2p = jnp.kron(eye8, W2)
    W3p = jnp.kron(eye8, W3)
    b1p = jnp.tile(b1, G).reshape(1, H8)
    b2p = jnp.tile(b2, G).reshape(1, H8)
    b3p = jnp.tile(b3, G).reshape(1, O8)
    o = _tc_mlp(xp, e, W1xp, W1ep, b1p, W2p, b2p, W3p, b3p)
    return o.reshape(B, OUT_DIM)

# --- scband reference (transcript-rebuilt; emitter-appended) ---
"""Pipeline reference for scband-network-dection-model-50981261803898 (READ-ONLY COPY).

The authoritative reference and input builder live on the scoring server;
editing this copy changes nothing except your own understanding.
"""

import jax, jax.numpy as jnp
import numpy as np
import math

B = 16384
NUM_BIN = 100000
NUM_BOUT = 100000
NUM_PIN = 65536
NUM_POUT = 65536
NUM_PROTO = 256
ED = 16
INPUT_DIM = 4 + 5 * ED  # 84
HIDDEN = int(math.ceil((INPUT_DIM + 1) * 0.67))  # 57
OUT_DIM = 2


def setup_inputs(seed: int = 0) -> dict:
    key = jax.random.key(seed)
    ks = jax.random.split(key, 16)
    cont = jax.random.normal(ks[0], (B, 4), dtype=jnp.float32)
    bin_i = jax.random.randint(ks[1], (B, 1), 0, NUM_BIN).astype(jnp.float32)
    bout_i = jax.random.randint(ks[2], (B, 1), 0, NUM_BOUT).astype(jnp.float32)
    pin_i = jax.random.randint(ks[3], (B, 1), 0, NUM_PIN).astype(jnp.float32)
    pout_i = jax.random.randint(ks[4], (B, 1), 0, NUM_POUT).astype(jnp.float32)
    proto_i = jax.random.randint(ks[5], (B, 1), 0, NUM_PROTO).astype(jnp.float32)
    x = jnp.concatenate([cont, bin_i, bout_i, pin_i, pout_i, proto_i], axis=1)

    bin_table = jax.random.normal(ks[6], (NUM_BIN, ED), dtype=jnp.float32)
    bout_table = jax.random.normal(ks[7], (NUM_BOUT, ED), dtype=jnp.float32)
    pin_table = jax.random.normal(ks[8], (NUM_PIN, ED), dtype=jnp.float32)
    pout_table = jax.random.normal(ks[9], (NUM_POUT, ED), dtype=jnp.float32)
    proto_table = jax.random.normal(ks[10], (NUM_PROTO, ED), dtype=jnp.float32)

    W1 = jax.random.normal(ks[11], (INPUT_DIM, HIDDEN), dtype=jnp.float32) * (1.0 / math.sqrt(INPUT_DIM))
    b1 = jnp.zeros((HIDDEN,), dtype=jnp.float32)
    W2 = jax.random.normal(ks[12], (HIDDEN, HIDDEN), dtype=jnp.float32) * (1.0 / math.sqrt(HIDDEN))
    b2 = jnp.zeros((HIDDEN,), dtype=jnp.float32)
    W3 = jax.random.normal(ks[13], (HIDDEN, OUT_DIM), dtype=jnp.float32) * (1.0 / math.sqrt(HIDDEN))
    b3 = jnp.zeros((OUT_DIM,), dtype=jnp.float32)

    return {"x": x, "bin_table": bin_table, "bout_table": bout_table,
            "pin_table": pin_table, "pout_table": pout_table, "proto_table": proto_table,
            "W1": W1, "b1": b1, "W2": W2, "b2": b2, "W3": W3, "b3": b3}


def reference(x, bin_table, bout_table, pin_table, pout_table, proto_table,
              W1, b1, W2, b2, W3, b3):
    cont = x[:, 0:4]
    idx = x[:, 4:9].astype(jnp.int32)
    e_bin = jnp.take(bin_table, idx[:, 0], axis=0)
    e_bout = jnp.take(bout_table, idx[:, 1], axis=0)
    e_pin = jnp.take(pin_table, idx[:, 2], axis=0)
    e_pout = jnp.take(pout_table, idx[:, 3], axis=0)
    e_proto = jnp.take(proto_table, idx[:, 4], axis=0)
    h = jnp.concatenate([cont, e_bin, e_bout, e_pin, e_pout, e_proto], axis=-1)
    h = jax.nn.relu(h @ W1 + b1)
    h = jax.nn.relu(h @ W2 + b2)
    return h @ W3 + b3

if __name__ == "__main__":
    import jax
    _d = setup_inputs()
    print(jax.jit(kernel)(*tuple(_d.values())))

</pallas_src>

<mosaic_0001>
#map = affine_map<(d0, d1) -> (0, 0)>
#map1 = affine_map<(d0, d1) -> (0, 0, 0)>
module attributes {stable_mosaic.version = 14 : i64} {
  func.func @k(%arg0: i32, %arg1: i32, %arg2: memref<100000x16xf32, #tpu.memory_space<hbm>>, %arg3: memref<100000x16xf32, #tpu.memory_space<hbm>>, %arg4: memref<65536x16xf32, #tpu.memory_space<hbm>>, %arg5: memref<65536x16xf32, #tpu.memory_space<hbm>>, %arg6: memref<256x16xf32, #tpu.memory_space<hbm>>, %arg7: memref<5x16384xi32, #tpu.memory_space<hbm>>, %arg8: memref<5x16384x16xf32, #tpu.memory_space<hbm>>, %arg9: memref<5x512xi32, #tpu.memory_space<vmem>>, %arg10: memref<5x512x16xf32, #tpu.memory_space<vmem>>, %arg11: memref<!tpu.dma_semaphore, #tpu.memory_space<semaphore_mem>>) attributes {dimension_semantics = [#tpu.dimension_semantics<core_parallel>, #tpu.dimension_semantics<subcore_parallel>], iteration_bounds = array<i64: 2, 16>, scalar_prefetch = 0 : i64, scratch_operands = 3 : i64, tpu.core_type = #tpu.core_type<sc_vector_subcore>, window_params = [{transform_indices = #map}, {transform_indices = #map}, {transform_indices = #map}, {transform_indices = #map}, {transform_indices = #map}, {transform_indices = #map}, {transform_indices = #map1}]} {
    %mul3A = arith.constant 2 : i32
    %mul3A_0 = arith.muli %arg1, %mul3A : i32
    %add3A = arith.addi %mul3A_0, %arg0 : i32
    %mul3A_1 = arith.constant 512 : i32
    %mul3A_2 = arith.muli %add3A, %mul3A_1 : i32
    "tpu.region"() ({
      %run_scoped3A_490 = tpu.sem_alloc : memref<!tpu.dma_semaphore, #tpu.memory_space<semaphore_mem>>
      %dma_start3A_491 = arith.constant 0 : i32
      %dma_start3A_492 = tpu.memref_slice %arg7[%dma_start3A_491, %mul3A_2] : memref<5x16384xi32, #tpu.memory_space<hbm>> -> memref<5x512xi32, #tpu.memory_space<hbm>>
      %dma_start3A_493 = arith.constant 0 : i32
      %dma_start3A_494 = tpu.memref_slice %arg7[%dma_start3A_493, %mul3A_2] : memref<5x16384xi32, #tpu.memory_space<hbm>> -> memref<5x512xi32, #tpu.memory_space<hbm>>
      tpu.enqueue_dma source(%dma_start3A_494 : memref<5x512xi32, #tpu.memory_space<hbm>>) target(%arg9 : memref<5x512xi32, #tpu.memory_space<vmem>>) target_semaphore(%run_scoped3A_490 : memref<!tpu.dma_semaphore, #tpu.memory_space<semaphore_mem>>)
      %dma_wait3A_495 = arith.constant 0 : i32
      %dma_wait3A_496 = tpu.memref_slice %arg7[%dma_wait3A_495, %mul3A_2] : memref<5x16384xi32, #tpu.memory_space<hbm>> -> memref<5x512xi32, #tpu.memory_space<hbm>>
      %dma_wait3A_497 = arith.constant 0 : i32
      %dma_wait3A_498 = tpu.memref_slice %arg7[%dma_wait3A_497, %mul3A_2] : memref<5x16384xi32, #tpu.memory_space<hbm>> -> memref<5x512xi32, #tpu.memory_space<hbm>>
      tpu.wait_dma2 semaphore(%run_scoped3A_490 : memref<!tpu.dma_semaphore, #tpu.memory_space<semaphore_mem>>) src(%dma_wait3A_498 : memref<5x512xi32, #tpu.memory_space<hbm>>) dst(%arg9 : memref<5x512xi32, #tpu.memory_space<vmem>>)
      tpu.yield
    }) : () -> ()
    %dma_start3A = arith.constant 0 : i32
    %dma_start3A_3 = arith.constant 0 : i32
    %dma_start3A_4 = arith.constant 0 : i32
    %dma_start3A_5 = arith.constant 0 : i32
    %dma_start3A_6 = tpu.memref_slice %arg10[%dma_start3A_3, %dma_start3A_4, %dma_start3A_5] : memref<5x512x16xf32, #tpu.memory_space<vmem>> -> memref<1x128x16xf32, #tpu.memory_space<vmem>>
    %dma_start3A_7 = tpu.memref_squeeze %dma_start3A_6 : memref<1x128x16xf32, #tpu.memory_space<vmem>> -> memref<128x16xf32, #tpu.memory_space<vmem>>
    %dma_start3A_8 = arith.constant 0 : i32
    %dma_start3A_9 = tpu.memref_slice %arg9[%dma_start3A, %dma_start3A_8] : memref<5x512xi32, #tpu.memory_space<vmem>> -> memref<1x128xi32, #tpu.memory_space<vmem>>
    %dma_start3A_10 = tpu.memref_squeeze %dma_start3A_9 : memref<1x128xi32, #tpu.memory_space<vmem>> -> memref<128xi32, #tpu.memory_space<vmem>>
    %dma_start3A_11 = arith.constant 0 : i32
    %dma_start3A_12 = arith.constant 0 : i32
    %dma_start3A_13 = tpu.memref_slice %arg2[%dma_start3A_11, %dma_start3A_12] : memref<100000x16xf32, #tpu.memory_space<hbm>> -> memref<100000x16xf32, #tpu.memory_space<hbm>>
    tpu.enqueue_indirect_dma source(%dma_start3A_13 : memref<100000x16xf32, #tpu.memory_space<hbm>>) target(%dma_start3A_7 : memref<128x16xf32, #tpu.memory_space<vmem>>) offsets(%dma_start3A_10 : memref<128xi32, #tpu.memory_space<vmem>>) semaphore(%arg11 : memref<!tpu.dma_semaphore, #tpu.memory_space<semaphore_mem>>)
    %dma_start3A_14 = arith.constant 0 : i32
    %dma_start3A_15 = arith.constant 0 : i32
    %dma_start3A_16 = arith.constant 128 : i32
    %dma_start3A_17 = arith.constant 0 : i32
    %dma_start3A_18 = tpu.memref_slice %arg10[%dma_start3A_15, %dma_start3A_16, %dma_start3A_17] : memref<5x512x16xf32, #tpu.memory_space<vmem>> -> memref<1x128x16xf32, #tpu.memory_space<vmem>>
    %dma_start3A_19 = tpu.memref_squeeze %dma_start3A_18 : memref<1x128x16xf32, #tpu.memory_space<vmem>> -> memref<128x16xf32, #tpu.memory_space<vmem>>
    %dma_start3A_20 = arith.constant 128 : i32
    %dma_start3A_21 = tpu.memref_slice %arg9[%dma_start3A_14, %dma_start3A_20] : memref<5x512xi32, #tpu.memory_space<vmem>> -> memref<1x128xi32, #tpu.memory_space<vmem>>
    %dma_start3A_22 = tpu.memref_squeeze %dma_start3A_21 : memref<1x128xi32, #tpu.memory_space<vmem>> -> memref<128xi32, #tpu.memory_space<vmem>>
    %dma_start3A_23 = arith.constant 0 : i32
    %dma_start3A_24 = arith.constant 0 : i32
    %dma_start3A_25 = tpu.memref_slice %arg2[%dma_start3A_23, %dma_start3A_24] : memref<100000x16xf32, #tpu.memory_space<hbm>> -> memref<100000x16xf32, #tpu.memory_space<hbm>>
    tpu.enqueue_indirect_dma source(%dma_start3A_25 : memref<100000x16xf32, #tpu.memory_space<hbm>>) target(%dma_start3A_19 : memref<128x16xf32, #tpu.memory_space<vmem>>) offsets(%dma_start3A_22 : memref<128xi32, #tpu.memory_space<vmem>>) semaphore(%arg11 : memref<!tpu.dma_semaphore, #tpu.memory_space<semaphore_mem>>)
    %dma_start3A_26 = arith.constant 0 : i32
    %dma_start3A_27 = arith.constant 0 : i32
    %dma_start3A_28 = arith.constant 256 : i32
    %dma_start3A_29 = arith.constant 0 : i32
    %dma_start3A_30 = tpu.memref_slice %arg10[%dma_start3A_27, %dma_start3A_28, %dma_start3A_29] : memref<5x512x16xf32, #tpu.memory_space<vmem>> -> memref<1x128x16xf32, #tpu.memory_space<vmem>>
    %dma_start3A_31 = tpu.memref_squeeze %dma_start3A_30 : memref<1x128x16xf32, #tpu.memory_space<vmem>> -> memref<128x16xf32, #tpu.memory_space<vmem>>
    %dma_start3A_32 = arith.constant 256 : i32
    %dma_start3A_33 = tpu.memref_slice %arg9[%dma_start3A_26, %dma_start3A_32] : memref<5x512xi32, #tpu.memory_space<vmem>> -> memref<1x128xi32, #tpu.memory_space<vmem>>
    %dma_start3A_34 = tpu.memref_squeeze %dma_start3A_33 : memref<1x128xi32, #tpu.memory_space<vmem>> -> memref<128xi32, #tpu.memory_space<vmem>>
    %dma_start3A_35 = arith.constant 0 : i32
    %dma_start3A_36 = arith.constant 0 : i32
    %dma_start3A_37 = tpu.memref_slice %arg2[%dma_start3A_35, %dma_start3A_36] : memref<100000x16xf32, #tpu.memory_space<hbm>> -> memref<100000x16xf32, #tpu.memory_space<hbm>>
    tpu.enqueue_indirect_dma source(%dma_start3A_37 : memref<100000x16xf32, #tpu.memory_space<hbm>>) target(%dma_start3A_31 : memref<128x16xf32, #tpu.memory_space<vmem>>) offsets(%dma_start3A_34 : memref<128xi32, #tpu.memory_space<vmem>>) semaphore(%arg11 : memref<!tpu.dma_semaphore, #tpu.memory_space<semaphore_mem>>)
    %dma_start3A_38 = arith.constant 0 : i32
    %dma_start3A_39 = arith.constant 0 : i32
    %dma_start3A_40 = arith.constant 384 : i32
    %dma_start3A_41 = arith.constant 0 : i32
    %dma_start3A_42 = tpu.memref_slice %arg10[%dma_start3A_39, %dma_start3A_40, %dma_start3A_41] : memref<5x512x16xf32, #tpu.memory_space<vmem>> -> memref<1x128x16xf32, #tpu.memory_space<vmem>>
    %dma_start3A_43 = tpu.memref_squeeze %dma_start3A_42 : memref<1x128x16xf32, #tpu.memory_space<vmem>> -> memref<128x16xf32, #tpu.memory_space<vmem>>
    %dma_start3A_44 = arith.constant 384 : i32
    %dma_start3A_45 = tpu.memref_slice %arg9[%dma_start3A_38, %dma_start3A_44] : memref<5x512xi32, #tpu.memory_space<vmem>> -> memref<1x128xi32, #tpu.memory_space<vmem>>
    %dma_start3A_46 = tpu.memref_squeeze %dma_start3A_45 : memref<1x128xi32, #tpu.memory_space<vmem>> -> memref<128xi32, #tpu.memory_space<vmem>>
    %dma_start3A_47 = arith.constant 0 : i32
    %dma_start3A_48 = arith.constant 0 : i32
    %dma_start3A_49 = tpu.memref_slice %arg2[%dma_start3A_47, %dma_start3A_48] : memref<100000x16xf32, #tpu.memory_space<hbm>> -> memref<100000x16xf32, #tpu.memory_space<hbm>>
    tpu.enqueue_indirect_dma source(%dma_start3A_49 : memref<100000x16xf32, #tpu.memory_space<hbm>>) target(%dma_start3A_43 : memref<128x16xf32, #tpu.memory_space<vmem>>) offsets(%dma_start3A_46 : memref<128xi32, #tpu.memory_space<vmem>>) semaphore(%arg11 : memref<!tpu.dma_semaphore, #tpu.memory_space<semaphore_mem>>)
    %dma_start3A_50 = arith.constant 1 : i32
    %dma_start3A_51 = arith.constant 1 : i32
    %dma_start3A_52 = arith.constant 0 : i32
    %dma_start3A_53 = arith.constant 0 : i32
    %dma_start3A_54 = tpu.memref_slice %arg10[%dma_start3A_51, %dma_start3A_52, %dma_start3A_53] : memref<5x512x16xf32, #tpu.memory_space<vmem>> -> memref<1x128x16xf32, #tpu.memory_space<vmem>>
    %dma_start3A_55 = tpu.memref_squeeze %dma_start3A_54 : memref<1x128x16xf32, #tpu.memory_space<vmem>> -> memref<128x16xf32, #tpu.memory_space<vmem>>
    %dma_start3A_56 = arith.constant 0 : i32
    %dma_start3A_57 = tpu.memref_slice %arg9[%dma_start3A_50, %dma_start3A_56] : memref<5x512xi32, #tpu.memory_space<vmem>> -> memref<1x128xi32, #tpu.memory_space<vmem>>
    %dma_start3A_58 = tpu.memref_squeeze %dma_start3A_57 : memref<1x128xi32, #tpu.memory_space<vmem>> -> memref<128xi32, #tpu.memory_space<vmem>>
    %dma_start3A_59 = arith.constant 0 : i32
    %dma_start3A_60 = arith.constant 0 : i32
    %dma_start3A_61 = tpu.memref_slice %arg3[%dma_start3A_59, %dma_start3A_60] : memref<100000x16xf32, #tpu.memory_space<hbm>> -> memref<100000x16xf32, #tpu.memory_space<hbm>>
    tpu.enqueue_indirect_dma source(%dma_start3A_61 : memref<100000x16xf32, #tpu.memory_space<hbm>>) target(%dma_start3A_55 : memref<128x16xf32, #tpu.memory_space<vmem>>) offsets(%dma_start3A_58 : memref<128xi32, #tpu.memory_space<vmem>>) semaphore(%arg11 : memref<!tpu.dma_semaphore, #tpu.memory_space<semaphore_mem>>)
    %dma_start3A_62 = arith.constant 1 : i32
    %dma_start3A_63 = arith.constant 1 : i32
    %dma_start3A_64 = arith.constant 128 : i32
    %dma_start3A_65 = arith.constant 0 : i32
    %dma_start3A_66 = tpu.memref_slice %arg10[%dma_start3A_63, %dma_start3A_64, %dma_start3A_65] : memref<5x512x16xf32, #tpu.memory_space<vmem>> -> memref<1x128x16xf32, #tpu.memory_space<vmem>>
    %dma_start3A_67 = tpu.memref_squeeze %dma_start3A_66 : memref<1x128x16xf32, #tpu.memory_space<vmem>> -> memref<128x16xf32, #tpu.memory_space<vmem>>
    %dma_start3A_68 = arith.constant 128 : i32
    %dma_start3A_69 = tpu.memref_slice %arg9[%dma_start3A_62, %dma_start3A_68] : memref<5x512xi32, #tpu.memory_space<vmem>> -> memref<1x128xi32, #tpu.memory_space<vmem>>
    %dma_start3A_70 = tpu.memref_squeeze %dma_start3A_69 : memref<1x128xi32, #tpu.memory_space<vmem>> -> memref<128xi32, #tpu.memory_space<vmem>>
    %dma_start3A_71 = arith.constant 0 : i32
    %dma_start3A_72 = arith.constant 0 : i32
    %dma_start3A_73 = tpu.memref_slice %arg3[%dma_start3A_71, %dma_start3A_72] : memref<100000x16xf32, #tpu.memory_space<hbm>> -> memref<100000x16xf32, #tpu.memory_space<hbm>>
    tpu.enqueue_indirect_dma source(%dma_start3A_73 : memref<100000x16xf32, #tpu.memory_space<hbm>>) target(%dma_start3A_67 : memref<128x16xf32, #tpu.memory_space<vmem>>) offsets(%dma_start3A_70 : memref<128xi32, #tpu.memory_space<vmem>>) semaphore(%arg11 : memref<!tpu.dma_semaphore, #tpu.memory_space<semaphore_mem>>)
    %dma_start3A_74 = arith.constant 1 : i32
    %dma_start3A_75 = arith.constant 1 : i32
    %dma_start3A_76 = arith.constant 256 : i32
    %dma_start3A_77 = arith.constant 0 : i32
    %dma_start3A_78 = tpu.memref_slice %arg10[%dma_start3A_75, %dma_start3A_76, %dma_start3A_77] : memref<5x512x16xf32, #tpu.memory_space<vmem>> -> memref<1x128x16xf32, #tpu.memory_space<vmem>>
    %dma_start3A_79 = tpu.memref_squeeze %dma_start3A_78 : memref<1x128x16xf32, #tpu.memory_space<vmem>> -> memref<128x16xf32, #tpu.memory_space<vmem>>
    %dma_start3A_80 = arith.constant 256 : i32
    %dma_start3A_81 = tpu.memref_slice %arg9[%dma_start3A_74, %dma_start3A_80] : memref<5x512xi32, #tpu.memory_space<vmem>> -> memref<1x128xi32, #tpu.memory_space<vmem>>
    %dma_start3A_82 = tpu.memref_squeeze %dma_start3A_81 : memref<1x128xi32, #tpu.memory_space<vmem>> -> memref<128xi32, #tpu.memory_space<vmem>>
    %dma_start3A_83 = arith.constant 0 : i32
    %dma_start3A_84 = arith.constant 0 : i32
    %dma_start3A_85 = tpu.memref_slice %arg3[%dma_start3A_83, %dma_start3A_84] : memref<100000x16xf32, #tpu.memory_space<hbm>> -> memref<100000x16xf32, #tpu.memory_space<hbm>>
    tpu.enqueue_indirect_dma source(%dma_start3A_85 : memref<100000x16xf32, #tpu.memory_space<hbm>>) target(%dma_start3A_79 : memref<128x16xf32, #tpu.memory_space<vmem>>) offsets(%dma_start3A_82 : memref<128xi32, #tpu.memory_space<vmem>>) semaphore(%arg11 : memref<!tpu.dma_semaphore, #tpu.memory_space<semaphore_mem>>)
    %dma_start3A_86 = arith.constant 1 : i32
    %dma_start3A_87 = arith.constant 1 : i32
    %dma_start3A_88 = arith.constant 384 : i32
    %dma_start3A_89 = arith.constant 0 : i32
    %dma_start3A_90 = tpu.memref_slice %arg10[%dma_start3A_87, %dma_start3A_88, %dma_start3A_89] : memref<5x512x16xf32, #tpu.memory_space<vmem>> -> memref<1x128x16xf32, #tpu.memory_space<vmem>>
    %dma_start3A_91 = tpu.memref_squeeze %dma_start3A_90 : memref<1x128x16xf32, #tpu.memory_space<vmem>> -> memref<128x16xf32, #tpu.memory_space<vmem>>
    %dma_start3A_92 = arith.constant 384 : i32
    %dma_start3A_93 = tpu.memref_slice %arg9[%dma_start3A_86, %dma_start3A_92] : memref<5x512xi32, #tpu.memory_space<vmem>> -> memref<1x128xi32, #tpu.memory_space<vmem>>
    %dma_start3A_94 = tpu.memref_squeeze %dma_start3A_93 : memref<1x128xi32, #tpu.memory_space<vmem>> -> memref<128xi32, #tpu.memory_space<vmem>>
    %dma_start3A_95 = arith.constant 0 : i32
    %dma_start3A_96 = arith.constant 0 : i32
    %dma_start3A_97 = tpu.memref_slice %arg3[%dma_start3A_95, %dma_start3A_96] : memref<100000x16xf32, #tpu.memory_space<hbm>> -> memref<100000x16xf32, #tpu.memory_space<hbm>>
    tpu.enqueue_indirect_dma source(%dma_start3A_97 : memref<100000x16xf32, #tpu.memory_space<hbm>>) target(%dma_start3A_91 : memref<128x16xf32, #tpu.memory_space<vmem>>) offsets(%dma_start3A_94 : memref<128xi32, #tpu.memory_space<vmem>>) semaphore(%arg11 : memref<!tpu.dma_semaphore, #tpu.memory_space<semaphore_mem>>)
    %dma_start3A_98 = arith.constant 2 : i32
    %dma_start3A_99 = arith.constant 2 : i32
    %dma_start3A_100 = arith.constant 0 : i32
    %dma_start3A_101 = arith.constant 0 : i32
    %dma_start3A_102 = tpu.memref_slice %arg10[%dma_start3A_99, %dma_start3A_100, %dma_start3A_101] : memref<5x512x16xf32, #tpu.memory_space<vmem>> -> memref<1x128x16xf32, #tpu.memory_space<vmem>>
    %dma_start3A_103 = tpu.memref_squeeze %dma_start3A_102 : memref<1x128x16xf32, #tpu.memory_space<vmem>> -> memref<128x16xf32, #tpu.memory_space<vmem>>
    %dma_start3A_104 = arith.constant 0 : i32
    %dma_start3A_105 = tpu.memref_slice %arg9[%dma_start3A_98, %dma_start3A_104] : memref<5x512xi32, #tpu.memory_space<vmem>> -> memref<1x128xi32, #tpu.memory_space<vmem>>
    %dma_start3A_106 = tpu.memref_squeeze %dma_start3A_105 : memref<1x128xi32, #tpu.memory_space<vmem>> -> memref<128xi32, #tpu.memory_space<vmem>>
    %dma_start3A_107 = arith.constant 0 : i32
    %dma_start3A_108 = arith.constant 0 : i32
    %dma_start3A_109 = tpu.memref_slice %arg4[%dma_start3A_107, %dma_start3A_108] : memref<65536x16xf32, #tpu.memory_space<hbm>> -> memref<65536x16xf32, #tpu.memory_space<hbm>>
    tpu.enqueue_indirect_dma source(%dma_start3A_109 : memref<65536x16xf32, #tpu.memory_space<hbm>>) target(%dma_start3A_103 : memref<128x16xf32, #tpu.memory_space<vmem>>) offsets(%dma_start3A_106 : memref<128xi32, #tpu.memory_space<vmem>>) semaphore(%arg11 : memref<!tpu.dma_semaphore, #tpu.memory_space<semaphore_mem>>)
    %dma_start3A_110 = arith.constant 2 : i32
    %dma_start3A_111 = arith.constant 2 : i32
    %dma_start3A_112 = arith.constant 128 : i32
    %dma_start3A_113 = arith.constant 0 : i32
    %dma_start3A_114 = tpu.memref_slice %arg10[%dma_start3A_111, %dma_start3A_112, %dma_start3A_113] : memref<5x512x16xf32, #tpu.memory_space<vmem>> -> memref<1x128x16xf32, #tpu.memory_space<vmem>>
    %dma_start3A_115 = tpu.memref_squeeze %dma_start3A_114 : memref<1x128x16xf32, #tpu.memory_space<vmem>> -> memref<128x16xf32, #tpu.memory_space<vmem>>
    %dma_start3A_116 = arith.constant 128 : i32
    %dma_start3A_117 = tpu.memref_slice %arg9[%dma_start3A_110, %dma_start3A_116] : memref<5x512xi32, #tpu.memory_space<vmem>> -> memref<1x128xi32, #tpu.memory_space<vmem>>
    %dma_start3A_118 = tpu.memref_squeeze %dma_start3A_117 : memref<1x128xi32, #tpu.memory_space<vmem>> -> memref<128xi32, #tpu.memory_space<vmem>>
    %dma_start3A_119 = arith.constant 0 : i32
    %dma_start3A_120 = arith.constant 0 : i32
    %dma_start3A_121 = tpu.memref_slice %arg4[%dma_start3A_119, %dma_start3A_120] : memref<65536x16xf32, #tpu.memory_space<hbm>> -> memref<65536x16xf32, #tpu.memory_space<hbm>>
    tpu.enqueue_indirect_dma source(%dma_start3A_121 : memref<65536x16xf32, #tpu.memory_space<hbm>>) target(%dma_start3A_115 : memref<128x16xf32, #tpu.memory_space<vmem>>) offsets(%dma_start3A_118 : memref<128xi32, #tpu.memory_space<vmem>>) semaphore(%arg11 : memref<!tpu.dma_semaphore, #tpu.memory_space<semaphore_mem>>)
    %dma_start3A_122 = arith.constant 2 : i32
    %dma_start3A_123 = arith.constant 2 : i32
    %dma_start3A_124 = arith.constant 256 : i32
    %dma_start3A_125 = arith.constant 0 : i32
    %dma_start3A_126 = tpu.memref_slice %arg10[%dma_start3A_123, %dma_start3A_124, %dma_start3A_125] : memref<5x512x16xf32, #tpu.memory_space<vmem>> -> memref<1x128x16xf32, #tpu.memory_space<vmem>>
    %dma_start3A_127 = tpu.memref_squeeze %dma_start3A_126 : memref<1x128x16xf32, #tpu.memory_space<vmem>> -> memref<128x16xf32, #tpu.memory_space<vmem>>
    %dma_start3A_128 = arith.constant 256 : i32
    %dma_start3A_129 = tpu.memref_slice %arg9[%dma_start3A_122, %dma_start3A_128] : memref<5x512xi32, #tpu.memory_space<vmem>> -> memref<1x128xi32, #tpu.memory_space<vmem>>
    %dma_start3A_130 = tpu.memref_squeeze %dma_start3A_129 : memref<1x128xi32, #tpu.memory_space<vmem>> -> memref<128xi32, #tpu.memory_space<vmem>>
    %dma_start3A_131 = arith.constant 0 : i32
    %dma_start3A_132 = arith.constant 0 : i32
    %dma_start3A_133 = tpu.memref_slice %arg4[%dma_start3A_131, %dma_start3A_132] : memref<65536x16xf32, #tpu.memory_space<hbm>> -> memref<65536x16xf32, #tpu.memory_space<hbm>>
    tpu.enqueue_indirect_dma source(%dma_start3A_133 : memref<65536x16xf32, #tpu.memory_space<hbm>>) target(%dma_start3A_127 : memref<128x16xf32, #tpu.memory_space<vmem>>) offsets(%dma_start3A_130 : memref<128xi32, #tpu.memory_space<vmem>>) semaphore(%arg11 : memref<!tpu.dma_semaphore, #tpu.memory_space<semaphore_mem>>)
    %dma_start3A_134 = arith.constant 2 : i32
    %dma_start3A_135 = arith.constant 2 : i32
    %dma_start3A_136 = arith.constant 384 : i32
    %dma_start3A_137 = arith.constant 0 : i32
    %dma_start3A_138 = tpu.memref_slice %arg10[%dma_start3A_135, %dma_start3A_136, %dma_start3A_137] : memref<5x512x16xf32, #tpu.memory_space<vmem>> -> memref<1x128x16xf32, #tpu.memory_space<vmem>>
    %dma_start3A_139 = tpu.memref_squeeze %dma_start3A_138 : memref<1x128x16xf32, #tpu.memory_space<vmem>> -> memref<128x16xf32, #tpu.memory_space<vmem>>
    %dma_start3A_140 = arith.constant 384 : i32
    %dma_start3A_141 = tpu.memref_slice %arg9[%dma_start3A_134, %dma_start3A_140] : memref<5x512xi32, #tpu.memory_space<vmem>> -> memref<1x128xi32, #tpu.memory_space<vmem>>
    %dma_start3A_142 = tpu.memref_squeeze %dma_start3A_141 : memref<1x128xi32, #tpu.memory_space<vmem>> -> memref<128xi32, #tpu.memory_space<vmem>>
    %dma_start3A_143 = arith.constant 0 : i32
    %dma_start3A_144 = arith.constant 0 : i32
    %dma_start3A_145 = tpu.memref_slice %arg4[%dma_start3A_143, %dma_start3A_144] : memref<65536x16xf32, #tpu.memory_space<hbm>> -> memref<65536x16xf32, #tpu.memory_space<hbm>>
    tpu.enqueue_indirect_dma source(%dma_start3A_145 : memref<65536x16xf32, #tpu.memory_space<hbm>>) target(%dma_start3A_139 : memref<128x16xf32, #tpu.memory_space<vmem>>) offsets(%dma_start3A_142 : memref<128xi32, #tpu.memory_space<vmem>>) semaphore(%arg11 : memref<!tpu.dma_semaphore, #tpu.memory_space<semaphore_mem>>)
    %dma_start3A_146 = arith.constant 3 : i32
    %dma_start3A_147 = arith.constant 3 : i32
    %dma_start3A_148 = arith.constant 0 : i32
    %dma_start3A_149 = arith.constant 0 : i32
    %dma_start3A_150 = tpu.memref_slice %arg10[%dma_start3A_147, %dma_start3A_148, %dma_start3A_149] : memref<5x512x16xf32, #tpu.memory_space<vmem>> -> memref<1x128x16xf32, #tpu.memory_space<vmem>>
    %dma_start3A_151 = tpu.memref_squeeze %dma_start3A_150 : memref<1x128x16xf32, #tpu.memory_space<vmem>> -> memref<128x16xf32, #tpu.memory_space<vmem>>
    %dma_start3A_152 = arith.constant 0 : i32
    %dma_start3A_153 = tpu.memref_slice %arg9[%dma_start3A_146, %dma_start3A_152] : memref<5x512xi32, #tpu.memory_space<vmem>> -> memref<1x128xi32, #tpu.memory_space<vmem>>
    %dma_start3A_154 = tpu.memref_squeeze %dma_start3A_153 : memref<1x128xi32, #tpu.memory_space<vmem>> -> memref<128xi32, #tpu.memory_space<vmem>>
    %dma_start3A_155 = arith.constant 0 : i32
    %dma_start3A_156 = arith.constant 0 : i32
    %dma_start3A_157 = tpu.memref_slice %arg5[%dma_start3A_155, %dma_start3A_156] : memref<65536x16xf32, #tpu.memory_space<hbm>> -> memref<65536x16xf32, #tpu.memory_space<hbm>>
    tpu.enqueue_indirect_dma source(%dma_start3A_157 : memref<65536x16xf32, #tpu.memory_space<hbm>>) target(%dma_start3A_151 : memref<128x16xf32, #tpu.memory_space<vmem>>) offsets(%dma_start3A_154 : memref<128xi32, #tpu.memory_space<vmem>>) semaphore(%arg11 : memref<!tpu.dma_semaphore, #tpu.memory_space<semaphore_mem>>)
    %dma_start3A_158 = arith.constant 3 : i32
    %dma_start3A_159 = arith.constant 3 : i32
    %dma_start3A_160 = arith.constant 128 : i32
    %dma_start3A_161 = arith.constant 0 : i32
    %dma_start3A_162 = tpu.memref_slice %arg10[%dma_start3A_159, %dma_start3A_160, %dma_start3A_161] : memref<5x512x16xf32, #tpu.memory_space<vmem>> -> memref<1x128x16xf32, #tpu.memory_space<vmem>>
    %dma_start3A_163 = tpu.memref_squeeze %dma_start3A_162 : memref<1x128x16xf32, #tpu.memory_space<vmem>> -> memref<128x16xf32, #tpu.memory_space<vmem>>
    %dma_start3A_164 = arith.constant 128 : i32
    %dma_start3A_165 = tpu.memref_slice %arg9[%dma_start3A_158, %dma_start3A_164] : memref<5x512xi32, #tpu.memory_space<vmem>> -> memref<1x128xi32, #tpu.memory_space<vmem>>
    %dma_start3A_166 = tpu.memref_squeeze %dma_start3A_165 : memref<1x128xi32, #tpu.memory_space<vmem>> -> memref<128xi32, #tpu.memory_space<vmem>>
    %dma_start3A_167 = arith.constant 0 : i32
    %dma_start3A_168 = arith.constant 0 : i32
    %dma_start3A_169 = tpu.memref_slice %arg5[%dma_start3A_167, %dma_start3A_168] : memref<65536x16xf32, #tpu.memory_space<hbm>> -> memref<65536x16xf32, #tpu.memory_space<hbm>>
    tpu.enqueue_indirect_dma source(%dma_start3A_169 : memref<65536x16xf32, #tpu.memory_space<hbm>>) target(%dma_start3A_163 : memref<128x16xf32, #tpu.memory_space<vmem>>) offsets(%dma_start3A_166 : memref<128xi32, #tpu.memory_space<vmem>>) semaphore(%arg11 : memref<!tpu.dma_semaphore, #tpu.memory_space<semaphore_mem>>)
    %dma_start3A_170 = arith.constant 3 : i32
    %dma_start3A_171 = arith.constant 3 : i32
    %dma_start3A_172 = arith.constant 256 : i32
    %dma_start3A_173 = arith.constant 0 : i32
    %dma_start3A_174 = tpu.memref_slice %arg10[%dma_start3A_171, %dma_start3A_172, %dma_start3A_173] : memref<5x512x16xf32, #tpu.memory_space<vmem>> -> memref<1x128x16xf32, #tpu.memory_space<vmem>>
    %dma_start3A_175 = tpu.memref_squeeze %dma_start3A_174 : memref<1x128x16xf32, #tpu.memory_space<vmem>> -> memref<128x16xf32, #tpu.memory_space<vmem>>
    %dma_start3A_176 = arith.constant 256 : i32
    %dma_start3A_177 = tpu.memref_slice %arg9[%dma_start3A_170, %dma_start3A_176] : memref<5x512xi32, #tpu.memory_space<vmem>> -> memref<1x128xi32, #tpu.memory_space<vmem>>
    %dma_start3A_178 = tpu.memref_squeeze %dma_start3A_177 : memref<1x128xi32, #tpu.memory_space<vmem>> -> memref<128xi32, #tpu.memory_space<vmem>>
    %dma_start3A_179 = arith.constant 0 : i32
    %dma_start3A_180 = arith.constant 0 : i32
    %dma_start3A_181 = tpu.memref_slice %arg5[%dma_start3A_179, %dma_start3A_180] : memref<65536x16xf32, #tpu.memory_space<hbm>> -> memref<65536x16xf32, #tpu.memory_space<hbm>>
    tpu.enqueue_indirect_dma source(%dma_start3A_181 : memref<65536x16xf32, #tpu.memory_space<hbm>>) target(%dma_start3A_175 : memref<128x16xf32, #tpu.memory_space<vmem>>) offsets(%dma_start3A_178 : memref<128xi32, #tpu.memory_space<vmem>>) semaphore(%arg11 : memref<!tpu.dma_semaphore, #tpu.memory_space<semaphore_mem>>)
    %dma_start3A_182 = arith.constant 3 : i32
    %dma_start3A_183 = arith.constant 3 : i32
    %dma_start3A_184 = arith.constant 384 : i32
    %dma_start3A_185 = arith.constant 0 : i32
    %dma_start3A_186 = tpu.memref_slice %arg10[%dma_start3A_183, %dma_start3A_184, %dma_start3A_185] : memref<5x512x16xf32, #tpu.memory_space<vmem>> -> memref<1x128x16xf32, #tpu.memory_space<vmem>>
    %dma_start3A_187 = tpu.memref_squeeze %dma_start3A_186 : memref<1x128x16xf32, #tpu.memory_space<vmem>> -> memref<128x16xf32, #tpu.memory_space<vmem>>
    %dma_start3A_188 = arith.constant 384 : i32
    %dma_start3A_189 = tpu.memref_slice %arg9[%dma_start3A_182, %dma_start3A_188] : memref<5x512xi32, #tpu.memory_space<vmem>> -> memref<1x128xi32, #tpu.memory_space<vmem>>
    %dma_start3A_190 = tpu.memref_squeeze %dma_start3A_189 : memref<1x128xi32, #tpu.memory_space<vmem>> -> memref<128xi32, #tpu.memory_space<vmem>>
    %dma_start3A_191 = arith.constant 0 : i32
    %dma_start3A_192 = arith.constant 0 : i32
    %dma_start3A_193 = tpu.memref_slice %arg5[%dma_start3A_191, %dma_start3A_192] : memref<65536x16xf32, #tpu.memory_space<hbm>> -> memref<65536x16xf32, #tpu.memory_space<hbm>>
    tpu.enqueue_indirect_dma source(%dma_start3A_193 : memref<65536x16xf32, #tpu.memory_space<hbm>>) target(%dma_start3A_187 : memref<128x16xf32, #tpu.memory_space<vmem>>) offsets(%dma_start3A_190 : memref<128xi32, #tpu.memory_space<vmem>>) semaphore(%arg11 : memref<!tpu.dma_semaphore, #tpu.memory_space<semaphore_mem>>)
    %dma_start3A_194 = arith.constant 4 : i32
    %dma_start3A_195 = arith.constant 4 : i32
    %dma_start3A_196 = arith.constant 0 : i32
    %dma_start3A_197 = arith.constant 0 : i32
    %dma_start3A_198 = tpu.memref_slice %arg10[%dma_start3A_195, %dma_start3A_196, %dma_start3A_197] : memref<5x512x16xf32, #tpu.memory_space<vmem>> -> memref<1x128x16xf32, #tpu.memory_space<vmem>>
    %dma_start3A_199 = tpu.memref_squeeze %dma_start3A_198 : memref<1x128x16xf32, #tpu.memory_space<vmem>> -> memref<128x16xf32, #tpu.memory_space<vmem>>
    %dma_start3A_200 = arith.constant 0 : i32
    %dma_start3A_201 = tpu.memref_slice %arg9[%dma_start3A_194, %dma_start3A_200] : memref<5x512xi32, #tpu.memory_space<vmem>> -> memref<1x128xi32, #tpu.memory_space<vmem>>
    %dma_start3A_202 = tpu.memref_squeeze %dma_start3A_201 : memref<1x128xi32, #tpu.memory_space<vmem>> -> memref<128xi32, #tpu.memory_space<vmem>>
    %dma_start3A_203 = arith.constant 0 : i32
    %dma_start3A_204 = arith.constant 0 : i32
    %dma_start3A_205 = tpu.memref_slice %arg6[%dma_start3A_203, %dma_start3A_204] : memref<256x16xf32, #tpu.memory_space<hbm>> -> memref<256x16xf32, #tpu.memory_space<hbm>>
    tpu.enqueue_indirect_dma source(%dma_start3A_205 : memref<256x16xf32, #tpu.memory_space<hbm>>) target(%dma_start3A_199 : memref<128x16xf32, #tpu.memory_space<vmem>>) offsets(%dma_start3A_202 : memref<128xi32, #tpu.memory_space<vmem>>) semaphore(%arg11 : memref<!tpu.dma_semaphore, #tpu.memory_space<semaphore_mem>>)
    %dma_start3A_206 = arith.constant 4 : i32
    %dma_start3A_207 = arith.constant 4 : i32
    %dma_start3A_208 = arith.constant 128 : i32
    %dma_start3A_209 = arith.constant 0 : i32
    %dma_start3A_210 = tpu.memref_slice %arg10[%dma_start3A_207, %dma_start3A_208, %dma_start3A_209] : memref<5x512x16xf32, #tpu.memory_space<vmem>> -> memref<1x128x16xf32, #tpu.memory_space<vmem>>
    %dma_start3A_211 = tpu.memref_squeeze %dma_start3A_210 : memref<1x128x16xf32, #tpu.memory_space<vmem>> -> memref<128x16xf32, #tpu.memory_space<vmem>>
    %dma_start3A_212 = arith.constant 128 : i32
    %dma_start3A_213 = tpu.memref_slice %arg9[%dma_start3A_206, %dma_start3A_212] : memref<5x512xi32, #tpu.memory_space<vmem>> -> memref<1x128xi32, #tpu.memory_space<vmem>>
    %dma_start3A_214 = tpu.memref_squeeze %dma_start3A_213 : memref<1x128xi32, #tpu.memory_space<vmem>> -> memref<128xi32, #tpu.memory_space<vmem>>
    %dma_start3A_215 = arith.constant 0 : i32
    %dma_start3A_216 = arith.constant 0 : i32
    %dma_start3A_217 = tpu.memref_slice %arg6[%dma_start3A_215, %dma_start3A_216] : memref<256x16xf32, #tpu.memory_space<hbm>> -> memref<256x16xf32, #tpu.memory_space<hbm>>
    tpu.enqueue_indirect_dma source(%dma_start3A_217 : memref<256x16xf32, #tpu.memory_space<hbm>>) target(%dma_start3A_211 : memref<128x16xf32, #tpu.memory_space<vmem>>) offsets(%dma_start3A_214 : memref<128xi32, #tpu.memory_space<vmem>>) semaphore(%arg11 : memref<!tpu.dma_semaphore, #tpu.memory_space<semaphore_mem>>)
    %dma_start3A_218 = arith.constant 4 : i32
    %dma_start3A_219 = arith.constant 4 : i32
    %dma_start3A_220 = arith.constant 256 : i32
    %dma_start3A_221 = arith.constant 0 : i32
    %dma_start3A_222 = tpu.memref_slice %arg10[%dma_start3A_219, %dma_start3A_220, %dma_start3A_221] : memref<5x512x16xf32, #tpu.memory_space<vmem>> -> memref<1x128x16xf32, #tpu.memory_space<vmem>>
    %dma_start3A_223 = tpu.memref_squeeze %dma_start3A_222 : memref<1x128x16xf32, #tpu.memory_space<vmem>> -> memref<128x16xf32, #tpu.memory_space<vmem>>
    %dma_start3A_224 = arith.constant 256 : i32
    %dma_start3A_225 = tpu.memref_slice %arg9[%dma_start3A_218, %dma_start3A_224] : memref<5x512xi32, #tpu.memory_space<vmem>> -> memref<1x128xi32, #tpu.memory_space<vmem>>
    %dma_start3A_226 = tpu.memref_squeeze %dma_start3A_225 : memref<1x128xi32, #tpu.memory_space<vmem>> -> memref<128xi32, #tpu.memory_space<vmem>>
    %dma_start3A_227 = arith.constant 0 : i32
    %dma_start3A_228 = arith.constant 0 : i32
    %dma_start3A_229 = tpu.memref_slice %arg6[%dma_start3A_227, %dma_start3A_228] : memref<256x16xf32, #tpu.memory_space<hbm>> -> memref<256x16xf32, #tpu.memory_space<hbm>>
    tpu.enqueue_indirect_dma source(%dma_start3A_229 : memref<256x16xf32, #tpu.memory_space<hbm>>) target(%dma_start3A_223 : memref<128x16xf32, #tpu.memory_space<vmem>>) offsets(%dma_start3A_226 : memref<128xi32, #tpu.memory_space<vmem>>) semaphore(%arg11 : memref<!tpu.dma_semaphore, #tpu.memory_space<semaphore_mem>>)
    %dma_start3A_230 = arith.constant 4 : i32
    %dma_start3A_231 = arith.constant 4 : i32
    %dma_start3A_232 = arith.constant 384 : i32
    %dma_start3A_233 = arith.constant 0 : i32
    %dma_start3A_234 = tpu.memref_slice %arg10[%dma_start3A_231, %dma_start3A_232, %dma_start3A_233] : memref<5x512x16xf32, #tpu.memory_space<vmem>> -> memref<1x128x16xf32, #tpu.memory_space<vmem>>
    %dma_start3A_235 = tpu.memref_squeeze %dma_start3A_234 : memref<1x128x16xf32, #tpu.memory_space<vmem>> -> memref<128x16xf32, #tpu.memory_space<vmem>>
    %dma_start3A_236 = arith.constant 384 : i32
    %dma_start3A_237 = tpu.memref_slice %arg9[%dma_start3A_230, %dma_start3A_236] : memref<5x512xi32, #tpu.memory_space<vmem>> -> memref<1x128xi32, #tpu.memory_space<vmem>>
    %dma_start3A_238 = tpu.memref_squeeze %dma_start3A_237 : memref<1x128xi32, #tpu.memory_space<vmem>> -> memref<128xi32, #tpu.memory_space<vmem>>
    %dma_start3A_239 = arith.constant 0 : i32
    %dma_start3A_240 = arith.constant 0 : i32
    %dma_start3A_241 = tpu.memref_slice %arg6[%dma_start3A_239, %dma_start3A_240] : memref<256x16xf32, #tpu.memory_space<hbm>> -> memref<256x16xf32, #tpu.memory_space<hbm>>
    tpu.enqueue_indirect_dma source(%dma_start3A_241 : memref<256x16xf32, #tpu.memory_space<hbm>>) target(%dma_start3A_235 : memref<128x16xf32, #tpu.memory_space<vmem>>) offsets(%dma_start3A_238 : memref<128xi32, #tpu.memory_space<vmem>>) semaphore(%arg11 : memref<!tpu.dma_semaphore, #tpu.memory_space<semaphore_mem>>)
    %dma_wait3A = arith.constant 0 : i32
    %dma_wait3A_242 = arith.constant 0 : i32
    %dma_wait3A_243 = arith.constant 0 : i32
    %dma_wait3A_244 = arith.constant 0 : i32
    %dma_wait3A_245 = tpu.memref_slice %arg10[%dma_wait3A_242, %dma_wait3A_243, %dma_wait3A_244] : memref<5x512x16xf32, #tpu.memory_space<vmem>> -> memref<1x128x16xf32, #tpu.memory_space<vmem>>
    %dma_wait3A_246 = tpu.memref_squeeze %dma_wait3A_245 : memref<1x128x16xf32, #tpu.memory_space<vmem>> -> memref<128x16xf32, #tpu.memory_space<vmem>>
    %dma_wait3A_247 = arith.constant 0 : i32
    %dma_wait3A_248 = tpu.memref_slice %arg9[%dma_wait3A, %dma_wait3A_247] : memref<5x512xi32, #tpu.memory_space<vmem>> -> memref<1x128xi32, #tpu.memory_space<vmem>>
    %dma_wait3A_249 = tpu.memref_squeeze %dma_wait3A_248 : memref<1x128xi32, #tpu.memory_space<vmem>> -> memref<128xi32, #tpu.memory_space<vmem>>
    %dma_wait3A_250 = arith.constant 0 : i32
    %dma_wait3A_251 = arith.constant 0 : i32
    %dma_wait3A_252 = tpu.memref_slice %arg2[%dma_wait3A_250, %dma_wait3A_251] : memref<100000x16xf32, #tpu.memory_space<hbm>> -> memref<100000x16xf32, #tpu.memory_space<hbm>>
    tpu.wait_indirect_dma semaphore(%arg11 : memref<!tpu.dma_semaphore, #tpu.memory_space<semaphore_mem>>) src(%dma_wait3A_252 : memref<100000x16xf32, #tpu.memory_space<hbm>>) dst(%dma_wait3A_246 : memref<128x16xf32, #tpu.memory_space<vmem>>)
    %dma_wait3A_253 = arith.constant 0 : i32
    %dma_wait3A_254 = arith.constant 0 : i32
    %dma_wait3A_255 = arith.constant 128 : i32
    %dma_wait3A_256 = arith.constant 0 : i32
    %dma_wait3A_257 = tpu.memref_slice %arg10[%dma_wait3A_254, %dma_wait3A_255, %dma_wait3A_256] : memref<5x512x16xf32, #tpu.memory_space<vmem>> -> memref<1x128x16xf32, #tpu.memory_space<vmem>>
    %dma_wait3A_258 = tpu.memref_squeeze %dma_wait3A_257 : memref<1x128x16xf32, #tpu.memory_space<vmem>> -> memref<128x16xf32, #tpu.memory_space<vmem>>
    %dma_wait3A_259 = arith.constant 128 : i32
    %dma_wait3A_260 = tpu.memref_slice %arg9[%dma_wait3A_253, %dma_wait3A_259] : memref<5x512xi32, #tpu.memory_space<vmem>> -> memref<1x128xi32, #tpu.memory_space<vmem>>
    %dma_wait3A_261 = tpu.memref_squeeze %dma_wait3A_260 : memref<1x128xi32, #tpu.memory_space<vmem>> -> memref<128xi32, #tpu.memory_space<vmem>>
    %dma_wait3A_262 = arith.constant 0 : i32
    %dma_wait3A_263 = arith.constant 0 : i32
    %dma_wait3A_264 = tpu.memref_slice %arg2[%dma_wait3A_262, %dma_wait3A_263] : memref<100000x16xf32, #tpu.memory_space<hbm>> -> memref<100000x16xf32, #tpu.memory_space<hbm>>
    tpu.wait_indirect_dma semaphore(%arg11 : memref<!tpu.dma_semaphore, #tpu.memory_space<semaphore_mem>>) src(%dma_wait3A_264 : memref<100000x16xf32, #tpu.memory_space<hbm>>) dst(%dma_wait3A_258 : memref<128x16xf32, #tpu.memory_space<vmem>>)
    %dma_wait3A_265 = arith.constant 0 : i32
    %dma_wait3A_266 = arith.constant 0 : i32
    %dma_wait3A_267 = arith.constant 256 : i32
    %dma_wait3A_268 = arith.constant 0 : i32
    %dma_wait3A_269 = tpu.memref_slice %arg10[%dma_wait3A_266, %dma_wait3A_267, %dma_wait3A_268] : memref<5x512x16xf32, #tpu.memory_space<vmem>> -> memref<1x128x16xf32, #tpu.memory_space<vmem>>
    %dma_wait3A_270 = tpu.memref_squeeze %dma_wait3A_269 : memref<1x128x16xf32, #tpu.memory_space<vmem>> -> memref<128x16xf32, #tpu.memory_space<vmem>>
    %dma_wait3A_271 = arith.constant 256 : i32
    %dma_wait3A_272 = tpu.memref_slice %arg9[%dma_wait3A_265, %dma_wait3A_271] : memref<5x512xi32, #tpu.memory_space<vmem>> -> memref<1x128xi32, #tpu.memory_space<vmem>>
    %dma_wait3A_273 = tpu.memref_squeeze %dma_wait3A_272 : memref<1x128xi32, #tpu.memory_space<vmem>> -> memref<128xi32, #tpu.memory_space<vmem>>
    %dma_wait3A_274 = arith.constant 0 : i32
    %dma_wait3A_275 = arith.constant 0 : i32
    %dma_wait3A_276 = tpu.memref_slice %arg2[%dma_wait3A_274, %dma_wait3A_275] : memref<100000x16xf32, #tpu.memory_space<hbm>> -> memref<100000x16xf32, #tpu.memory_space<hbm>>
    tpu.wait_indirect_dma semaphore(%arg11 : memref<!tpu.dma_semaphore, #tpu.memory_space<semaphore_mem>>) src(%dma_wait3A_276 : memref<100000x16xf32, #tpu.memory_space<hbm>>) dst(%dma_wait3A_270 : memref<128x16xf32, #tpu.memory_space<vmem>>)
    %dma_wait3A_277 = arith.constant 0 : i32
    %dma_wait3A_278 = arith.constant 0 : i32
    %dma_wait3A_279 = arith.constant 384 : i32
    %dma_wait3A_280 = arith.constant 0 : i32
    %dma_wait3A_281 = tpu.memref_slice %arg10[%dma_wait3A_278, %dma_wait3A_279, %dma_wait3A_280] : memref<5x512x16xf32, #tpu.memory_space<vmem>> -> memref<1x128x16xf32, #tpu.memory_space<vmem>>
    %dma_wait3A_282 = tpu.memref_squeeze %dma_wait3A_281 : memref<1x128x16xf32, #tpu.memory_space<vmem>> -> memref<128x16xf32, #tpu.memory_space<vmem>>
    %dma_wait3A_283 = arith.constant 384 : i32
    %dma_wait3A_284 = tpu.memref_slice %arg9[%dma_wait3A_277, %dma_wait3A_283] : memref<5x512xi32, #tpu.memory_space<vmem>> -> memref<1x128xi32, #tpu.memory_space<vmem>>
    %dma_wait3A_285 = tpu.memref_squeeze %dma_wait3A_284 : memref<1x128xi32, #tpu.memory_space<vmem>> -> memref<128xi32, #tpu.memory_space<vmem>>
    %dma_wait3A_286 = arith.constant 0 : i32
    %dma_wait3A_287 = arith.constant 0 : i32
    %dma_wait3A_288 = tpu.memref_slice %arg2[%dma_wait3A_286, %dma_wait3A_287] : memref<100000x16xf32, #tpu.memory_space<hbm>> -> memref<100000x16xf32, #tpu.memory_space<hbm>>
    tpu.wait_indirect_dma semaphore(%arg11 : memref<!tpu.dma_semaphore, #tpu.memory_space<semaphore_mem>>) src(%dma_wait3A_288 : memref<100000x16xf32, #tpu.memory_space<hbm>>) dst(%dma_wait3A_282 : memref<128x16xf32, #tpu.memory_space<vmem>>)
    %dma_wait3A_289 = arith.constant 1 : i32
    %dma_wait3A_290 = arith.constant 1 : i32
    %dma_wait3A_291 = arith.constant 0 : i32
    %dma_wait3A_292 = arith.constant 0 : i32
    %dma_wait3A_293 = tpu.memref_slice %arg10[%dma_wait3A_290, %dma_wait3A_291, %dma_wait3A_292] : memref<5x512x16xf32, #tpu.memory_space<vmem>> -> memref<1x128x16xf32, #tpu.memory_space<vmem>>
    %dma_wait3A_294 = tpu.memref_squeeze %dma_wait3A_293 : memref<1x128x16xf32, #tpu.memory_space<vmem>> -> memref<128x16xf32, #tpu.memory_space<vmem>>
    %dma_wait3A_295 = arith.constant 0 : i32
    %dma_wait3A_296 = tpu.memref_slice %arg9[%dma_wait3A_289, %dma_wait3A_295] : memref<5x512xi32, #tpu.memory_space<vmem>> -> memref<1x128xi32, #tpu.memory_space<vmem>>
    %dma_wait3A_297 = tpu.memref_squeeze %dma_wait3A_296 : memref<1x128xi32, #tpu.memory_space<vmem>> -> memref<128xi32, #tpu.memory_space<vmem>>
    %dma_wait3A_298 = arith.constant 0 : i32
    %dma_wait3A_299 = arith.constant 0 : i32
    %dma_wait3A_300 = tpu.memref_slice %arg3[%dma_wait3A_298, %dma_wait3A_299] : memref<100000x16xf32, #tpu.memory_space<hbm>> -> memref<100000x16xf32, #tpu.memory_space<hbm>>
    tpu.wait_indirect_dma semaphore(%arg11 : memref<!tpu.dma_semaphore, #tpu.memory_space<semaphore_mem>>) src(%dma_wait3A_300 : memref<100000x16xf32, #tpu.memory_space<hbm>>) dst(%dma_wait3A_294 : memref<128x16xf32, #tpu.memory_space<vmem>>)
    %dma_wait3A_301 = arith.constant 1 : i32
    %dma_wait3A_302 = arith.constant 1 : i32
    %dma_wait3A_303 = arith.constant 128 : i32
    %dma_wait3A_304 = arith.constant 0 : i32
    %dma_wait3A_305 = tpu.memref_slice %arg10[%dma_wait3A_302, %dma_wait3A_303, %dma_wait3A_304] : memref<5x512x16xf32, #tpu.memory_space<vmem>> -> memref<1x128x16xf32, #tpu.memory_space<vmem>>
    %dma_wait3A_306 = tpu.memref_squeeze %dma_wait3A_305 : memref<1x128x16xf32, #tpu.memory_space<vmem>> -> memref<128x16xf32, #tpu.memory_space<vmem>>
    %dma_wait3A_307 = arith.constant 128 : i32
    %dma_wait3A_308 = tpu.memref_slice %arg9[%dma_wait3A_301, %dma_wait3A_307] : memref<5x512xi32, #tpu.memory_space<vmem>> -> memref<1x128xi32, #tpu.memory_space<vmem>>
    %dma_wait3A_309 = tpu.memref_squeeze %dma_wait3A_308 : memref<1x128xi32, #tpu.memory_space<vmem>> -> memref<128xi32, #tpu.memory_space<vmem>>
    %dma_wait3A_310 = arith.constant 0 : i32
    %dma_wait3A_311 = arith.constant 0 : i32
    %dma_wait3A_312 = tpu.memref_slice %arg3[%dma_wait3A_310, %dma_wait3A_311] : memref<100000x16xf32, #tpu.memory_space<hbm>> -> memref<100000x16xf32, #tpu.memory_space<hbm>>
    tpu.wait_indirect_dma semaphore(%arg11 : memref<!tpu.dma_semaphore, #tpu.memory_space<semaphore_mem>>) src(%dma_wait3A_312 : memref<100000x16xf32, #tpu.memory_space<hbm>>) dst(%dma_wait3A_306 : memref<128x16xf32, #tpu.memory_space<vmem>>)
    %dma_wait3A_313 = arith.constant 1 : i32
    %dma_wait3A_314 = arith.constant 1 : i32
    %dma_wait3A_315 = arith.constant 256 : i32
    %dma_wait3A_316 = arith.constant 0 : i32
    %dma_wait3A_317 = tpu.memref_slice %arg10[%dma_wait3A_314, %dma_wait3A_315, %dma_wait3A_316] : memref<5x512x16xf32, #tpu.memory_space<vmem>> -> memref<1x128x16xf32, #tpu.memory_space<vmem>>
    %dma_wait3A_318 = tpu.memref_squeeze %dma_wait3A_317 : memref<1x128x16xf32, #tpu.memory_space<vmem>> -> memref<128x16xf32, #tpu.memory_space<vmem>>
    %dma_wait3A_319 = arith.constant 256 : i32
    %dma_wait3A_320 = tpu.memref_slice %arg9[%dma_wait3A_313, %dma_wait3A_319] : memref<5x512xi32, #tpu.memory_space<vmem>> -> memref<1x128xi32, #tpu.memory_space<vmem>>
    %dma_wait3A_321 = tpu.memref_squeeze %dma_wait3A_320 : memref<1x128xi32, #tpu.memory_space<vmem>> -> memref<128xi32, #tpu.memory_space<vmem>>
    %dma_wait3A_322 = arith.constant 0 : i32
    %dma_wait3A_323 = arith.constant 0 : i32
    %dma_wait3A_324 = tpu.memref_slice %arg3[%dma_wait3A_322, %dma_wait3A_323] : memref<100000x16xf32, #tpu.memory_space<hbm>> -> memref<100000x16xf32, #tpu.memory_space<hbm>>
    tpu.wait_indirect_dma semaphore(%arg11 : memref<!tpu.dma_semaphore, #tpu.memory_space<semaphore_mem>>) src(%dma_wait3A_324 : memref<100000x16xf32, #tpu.memory_space<hbm>>) dst(%dma_wait3A_318 : memref<128x16xf32, #tpu.memory_space<vmem>>)
    %dma_wait3A_325 = arith.constant 1 : i32
    %dma_wait3A_326 = arith.constant 1 : i32
    %dma_wait3A_327 = arith.constant 384 : i32
    %dma_wait3A_328 = arith.constant 0 : i32
    %dma_wait3A_329 = tpu.memref_slice %arg10[%dma_wait3A_326, %dma_wait3A_327, %dma_wait3A_328] : memref<5x512x16xf32, #tpu.memory_space<vmem>> -> memref<1x128x16xf32, #tpu.memory_space<vmem>>
    %dma_wait3A_330 = tpu.memref_squeeze %dma_wait3A_329 : memref<1x128x16xf32, #tpu.memory_space<vmem>> -> memref<128x16xf32, #tpu.memory_space<vmem>>
    %dma_wait3A_331 = arith.constant 384 : i32
    %dma_wait3A_332 = tpu.memref_slice %arg9[%dma_wait3A_325, %dma_wait3A_331] : memref<5x512xi32, #tpu.memory_space<vmem>> -> memref<1x128xi32, #tpu.memory_space<vmem>>
    %dma_wait3A_333 = tpu.memref_squeeze %dma_wait3A_332 : memref<1x128xi32, #tpu.memory_space<vmem>> -> memref<128xi32, #tpu.memory_space<vmem>>
    %dma_wait3A_334 = arith.constant 0 : i32
    %dma_wait3A_335 = arith.constant 0 : i32
    %dma_wait3A_336 = tpu.memref_slice %arg3[%dma_wait3A_334, %dma_wait3A_335] : memref<100000x16xf32, #tpu.memory_space<hbm>> -> memref<100000x16xf32, #tpu.memory_space<hbm>>
    tpu.wait_indirect_dma semaphore(%arg11 : memref<!tpu.dma_semaphore, #tpu.memory_space<semaphore_mem>>) src(%dma_wait3A_336 : memref<100000x16xf32, #tpu.memory_space<hbm>>) dst(%dma_wait3A_330 : memref<128x16xf32, #tpu.memory_space<vmem>>)
    %dma_wait3A_337 = arith.constant 2 : i32
    %dma_wait3A_338 = arith.constant 2 : i32
    %dma_wait3A_339 = arith.constant 0 : i32
    %dma_wait3A_340 = arith.constant 0 : i32
    %dma_wait3A_341 = tpu.memref_slice %arg10[%dma_wait3A_338, %dma_wait3A_339, %dma_wait3A_340] : memref<5x512x16xf32, #tpu.memory_space<vmem>> -> memref<1x128x16xf32, #tpu.memory_space<vmem>>
    %dma_wait3A_342 = tpu.memref_squeeze %dma_wait3A_341 : memref<1x128x16xf32, #tpu.memory_space<vmem>> -> memref<128x16xf32, #tpu.memory_space<vmem>>
    %dma_wait3A_343 = arith.constant 0 : i32
    %dma_wait3A_344 = tpu.memref_slice %arg9[%dma_wait3A_337, %dma_wait3A_343] : memref<5x512xi32, #tpu.memory_space<vmem>> -> memref<1x128xi32, #tpu.memory_space<vmem>>
    %dma_wait3A_345 = tpu.memref_squeeze %dma_wait3A_344 : memref<1x128xi32, #tpu.memory_space<vmem>> -> memref<128xi32, #tpu.memory_space<vmem>>
    %dma_wait3A_346 = arith.constant 0 : i32
    %dma_wait3A_347 = arith.constant 0 : i32
    %dma_wait3A_348 = tpu.memref_slice %arg4[%dma_wait3A_346, %dma_wait3A_347] : memref<65536x16xf32, #tpu.memory_space<hbm>> -> memref<65536x16xf32, #tpu.memory_space<hbm>>
    tpu.wait_indirect_dma semaphore(%arg11 : memref<!tpu.dma_semaphore, #tpu.memory_space<semaphore_mem>>) src(%dma_wait3A_348 : memref<65536x16xf32, #tpu.memory_space<hbm>>) dst(%dma_wait3A_342 : memref<128x16xf32, #tpu.memory_space<vmem>>)
    %dma_wait3A_349 = arith.constant 2 : i32
    %dma_wait3A_350 = arith.constant 2 : i32
    %dma_wait3A_351 = arith.constant 128 : i32
    %dma_wait3A_352 = arith.constant 0 : i32
    %dma_wait3A_353 = tpu.memref_slice %arg10[%dma_wait3A_350, %dma_wait3A_351, %dma_wait3A_352] : memref<5x512x16xf32, #tpu.memory_space<vmem>> -> memref<1x128x16xf32, #tpu.memory_space<vmem>>
    %dma_wait3A_354 = tpu.memref_squeeze %dma_wait3A_353 : memref<1x128x16xf32, #tpu.memory_space<vmem>> -> memref<128x16xf32, #tpu.memory_space<vmem>>
    %dma_wait3A_355 = arith.constant 128 : i32
    %dma_wait3A_356 = tpu.memref_slice %arg9[%dma_wait3A_349, %dma_wait3A_355] : memref<5x512xi32, #tpu.memory_space<vmem>> -> memref<1x128xi32, #tpu.memory_space<vmem>>
    %dma_wait3A_357 = tpu.memref_squeeze %dma_wait3A_356 : memref<1x128xi32, #tpu.memory_space<vmem>> -> memref<128xi32, #tpu.memory_space<vmem>>
    %dma_wait3A_358 = arith.constant 0 : i32
    %dma_wait3A_359 = arith.constant 0 : i32
    %dma_wait3A_360 = tpu.memref_slice %arg4[%dma_wait3A_358, %dma_wait3A_359] : memref<65536x16xf32, #tpu.memory_space<hbm>> -> memref<65536x16xf32, #tpu.memory_space<hbm>>
    tpu.wait_indirect_dma semaphore(%arg11 : memref<!tpu.dma_semaphore, #tpu.memory_space<semaphore_mem>>) src(%dma_wait3A_360 : memref<65536x16xf32, #tpu.memory_space<hbm>>) dst(%dma_wait3A_354 : memref<128x16xf32, #tpu.memory_space<vmem>>)
    %dma_wait3A_361 = arith.constant 2 : i32
    %dma_wait3A_362 = arith.constant 2 : i32
    %dma_wait3A_363 = arith.constant 256 : i32
    %dma_wait3A_364 = arith.constant 0 : i32
    %dma_wait3A_365 = tpu.memref_slice %arg10[%dma_wait3A_362, %dma_wait3A_363, %dma_wait3A_364] : memref<5x512x16xf32, #tpu.memory_space<vmem>> -> memref<1x128x16xf32, #tpu.memory_space<vmem>>
    %dma_wait3A_366 = tpu.memref_squeeze %dma_wait3A_365 : memref<1x128x16xf32, #tpu.memory_space<vmem>> -> memref<128x16xf32, #tpu.memory_space<vmem>>
    %dma_wait3A_367 = arith.constant 256 : i32
    %dma_wait3A_368 = tpu.memref_slice %arg9[%dma_wait3A_361, %dma_wait3A_367] : memref<5x512xi32, #tpu.memory_space<vmem>> -> memref<1x128xi32, #tpu.memory_space<vmem>>
    %dma_wait3A_369 = tpu.memref_squeeze %dma_wait3A_368 : memref<1x128xi32, #tpu.memory_space<vmem>> -> memref<128xi32, #tpu.memory_space<vmem>>
    %dma_wait3A_370 = arith.constant 0 : i32
    %dma_wait3A_371 = arith.constant 0 : i32
    %dma_wait3A_372 = tpu.memref_slice %arg4[%dma_wait3A_370, %dma_wait3A_371] : memref<65536x16xf32, #tpu.memory_space<hbm>> -> memref<65536x16xf32, #tpu.memory_space<hbm>>
    tpu.wait_indirect_dma semaphore(%arg11 : memref<!tpu.dma_semaphore, #tpu.memory_space<semaphore_mem>>) src(%dma_wait3A_372 : memref<65536x16xf32, #tpu.memory_space<hbm>>) dst(%dma_wait3A_366 : memref<128x16xf32, #tpu.memory_space<vmem>>)
    %dma_wait3A_373 = arith.constant 2 : i32
    %dma_wait3A_374 = arith.constant 2 : i32
    %dma_wait3A_375 = arith.constant 384 : i32
    %dma_wait3A_376 = arith.constant 0 : i32
    %dma_wait3A_377 = tpu.memref_slice %arg10[%dma_wait3A_374, %dma_wait3A_375, %dma_wait3A_376] : memref<5x512x16xf32, #tpu.memory_space<vmem>> -> memref<1x128x16xf32, #tpu.memory_space<vmem>>
    %dma_wait3A_378 = tpu.memref_squeeze %dma_wait3A_377 : memref<1x128x16xf32, #tpu.memory_space<vmem>> -> memref<128x16xf32, #tpu.memory_space<vmem>>
    %dma_wait3A_379 = arith.constant 384 : i32
    %dma_wait3A_380 = tpu.memref_slice %arg9[%dma_wait3A_373, %dma_wait3A_379] : memref<5x512xi32, #tpu.memory_space<vmem>> -> memref<1x128xi32, #tpu.memory_space<vmem>>
    %dma_wait3A_381 = tpu.memref_squeeze %dma_wait3A_380 : memref<1x128xi32, #tpu.memory_space<vmem>> -> memref<128xi32, #tpu.memory_space<vmem>>
    %dma_wait3A_382 = arith.constant 0 : i32
    %dma_wait3A_383 = arith.constant 0 : i32
    %dma_wait3A_384 = tpu.memref_slice %arg4[%dma_wait3A_382, %dma_wait3A_383] : memref<65536x16xf32, #tpu.memory_space<hbm>> -> memref<65536x16xf32, #tpu.memory_space<hbm>>
    tpu.wait_indirect_dma semaphore(%arg11 : memref<!tpu.dma_semaphore, #tpu.memory_space<semaphore_mem>>) src(%dma_wait3A_384 : memref<65536x16xf32, #tpu.memory_space<hbm>>) dst(%dma_wait3A_378 : memref<128x16xf32, #tpu.memory_space<vmem>>)
    %dma_wait3A_385 = arith.constant 3 : i32
    %dma_wait3A_386 = arith.constant 3 : i32
    %dma_wait3A_387 = arith.constant 0 : i32
    %dma_wait3A_388 = arith.constant 0 : i32
    %dma_wait3A_389 = tpu.memref_slice %arg10[%dma_wait3A_386, %dma_wait3A_387, %dma_wait3A_388] : memref<5x512x16xf32, #tpu.memory_space<vmem>> -> memref<1x128x16xf32, #tpu.memory_space<vmem>>
    %dma_wait3A_390 = tpu.memref_squeeze %dma_wait3A_389 : memref<1x128x16xf32, #tpu.memory_space<vmem>> -> memref<128x16xf32, #tpu.memory_space<vmem>>
    %dma_wait3A_391 = arith.constant 0 : i32
    %dma_wait3A_392 = tpu.memref_slice %arg9[%dma_wait3A_385, %dma_wait3A_391] : memref<5x512xi32, #tpu.memory_space<vmem>> -> memref<1x128xi32, #tpu.memory_space<vmem>>
    %dma_wait3A_393 = tpu.memref_squeeze %dma_wait3A_392 : memref<1x128xi32, #tpu.memory_space<vmem>> -> memref<128xi32, #tpu.memory_space<vmem>>
    %dma_wait3A_394 = arith.constant 0 : i32
    %dma_wait3A_395 = arith.constant 0 : i32
    %dma_wait3A_396 = tpu.memref_slice %arg5[%dma_wait3A_394, %dma_wait3A_395] : memref<65536x16xf32, #tpu.memory_space<hbm>> -> memref<65536x16xf32, #tpu.memory_space<hbm>>
    tpu.wait_indirect_dma semaphore(%arg11 : memref<!tpu.dma_semaphore, #tpu.memory_space<semaphore_mem>>) src(%dma_wait3A_396 : memref<65536x16xf32, #tpu.memory_space<hbm>>) dst(%dma_wait3A_390 : memref<128x16xf32, #tpu.memory_space<vmem>>)
    %dma_wait3A_397 = arith.constant 3 : i32
    %dma_wait3A_398 = arith.constant 3 : i32
    %dma_wait3A_399 = arith.constant 128 : i32
    %dma_wait3A_400 = arith.constant 0 : i32
    %dma_wait3A_401 = tpu.memref_slice %arg10[%dma_wait3A_398, %dma_wait3A_399, %dma_wait3A_400] : memref<5x512x16xf32, #tpu.memory_space<vmem>> -> memref<1x128x16xf32, #tpu.memory_space<vmem>>
    %dma_wait3A_402 = tpu.memref_squeeze %dma_wait3A_401 : memref<1x128x16xf32, #tpu.memory_space<vmem>> -> memref<128x16xf32, #tpu.memory_space<vmem>>
    %dma_wait3A_403 = arith.constant 128 : i32
    %dma_wait3A_404 = tpu.memref_slice %arg9[%dma_wait3A_397, %dma_wait3A_403] : memref<5x512xi32, #tpu.memory_space<vmem>> -> memref<1x128xi32, #tpu.memory_space<vmem>>
    %dma_wait3A_405 = tpu.memref_squeeze %dma_wait3A_404 : memref<1x128xi32, #tpu.memory_space<vmem>> -> memref<128xi32, #tpu.memory_space<vmem>>
    %dma_wait3A_406 = arith.constant 0 : i32
    %dma_wait3A_407 = arith.constant 0 : i32
    %dma_wait3A_408 = tpu.memref_slice %arg5[%dma_wait3A_406, %dma_wait3A_407] : memref<65536x16xf32, #tpu.memory_space<hbm>> -> memref<65536x16xf32, #tpu.memory_space<hbm>>
    tpu.wait_indirect_dma semaphore(%arg11 : memref<!tpu.dma_semaphore, #tpu.memory_space<semaphore_mem>>) src(%dma_wait3A_408 : memref<65536x16xf32, #tpu.memory_space<hbm>>) dst(%dma_wait3A_402 : memref<128x16xf32, #tpu.memory_space<vmem>>)
    %dma_wait3A_409 = arith.constant 3 : i32
    %dma_wait3A_410 = arith.constant 3 : i32
    %dma_wait3A_411 = arith.constant 256 : i32
    %dma_wait3A_412 = arith.constant 0 : i32
    %dma_wait3A_413 = tpu.memref_slice %arg10[%dma_wait3A_410, %dma_wait3A_411, %dma_wait3A_412] : memref<5x512x16xf32, #tpu.memory_space<vmem>> -> memref<1x128x16xf32, #tpu.memory_space<vmem>>
    %dma_wait3A_414 = tpu.memref_squeeze %dma_wait3A_413 : memref<1x128x16xf32, #tpu.memory_space<vmem>> -> memref<128x16xf32, #tpu.memory_space<vmem>>
    %dma_wait3A_415 = arith.constant 256 : i32
    %dma_wait3A_416 = tpu.memref_slice %arg9[%dma_wait3A_409, %dma_wait3A_415] : memref<5x512xi32, #tpu.memory_space<vmem>> -> memref<1x128xi32, #tpu.memory_space<vmem>>
    %dma_wait3A_417 = tpu.memref_squeeze %dma_wait3A_416 : memref<1x128xi32, #tpu.memory_space<vmem>> -> memref<128xi32, #tpu.memory_space<vmem>>
    %dma_wait3A_418 = arith.constant 0 : i32
    %dma_wait3A_419 = arith.constant 0 : i32
    %dma_wait3A_420 = tpu.memref_slice %arg5[%dma_wait3A_418, %dma_wait3A_419] : memref<65536x16xf32, #tpu.memory_space<hbm>> -> memref<65536x16xf32, #tpu.memory_space<hbm>>
    tpu.wait_indirect_dma semaphore(%arg11 : memref<!tpu.dma_semaphore, #tpu.memory_space<semaphore_mem>>) src(%dma_wait3A_420 : memref<65536x16xf32, #tpu.memory_space<hbm>>) dst(%dma_wait3A_414 : memref<128x16xf32, #tpu.memory_space<vmem>>)
    %dma_wait3A_421 = arith.constant 3 : i32
    %dma_wait3A_422 = arith.constant 3 : i32
    %dma_wait3A_423 = arith.constant 384 : i32
    %dma_wait3A_424 = arith.constant 0 : i32
    %dma_wait3A_425 = tpu.memref_slice %arg10[%dma_wait3A_422, %dma_wait3A_423, %dma_wait3A_424] : memref<5x512x16xf32, #tpu.memory_space<vmem>> -> memref<1x128x16xf32, #tpu.memory_space<vmem>>
    %dma_wait3A_426 = tpu.memref_squeeze %dma_wait3A_425 : memref<1x128x16xf32, #tpu.memory_space<vmem>> -> memref<128x16xf32, #tpu.memory_space<vmem>>
    %dma_wait3A_427 = arith.constant 384 : i32
    %dma_wait3A_428 = tpu.memref_slice %arg9[%dma_wait3A_421, %dma_wait3A_427] : memref<5x512xi32, #tpu.memory_space<vmem>> -> memref<1x128xi32, #tpu.memory_space<vmem>>
    %dma_wait3A_429 = tpu.memref_squeeze %dma_wait3A_428 : memref<1x128xi32, #tpu.memory_space<vmem>> -> memref<128xi32, #tpu.memory_space<vmem>>
    %dma_wait3A_430 = arith.constant 0 : i32
    %dma_wait3A_431 = arith.constant 0 : i32
    %dma_wait3A_432 = tpu.memref_slice %arg5[%dma_wait3A_430, %dma_wait3A_431] : memref<65536x16xf32, #tpu.memory_space<hbm>> -> memref<65536x16xf32, #tpu.memory_space<hbm>>
    tpu.wait_indirect_dma semaphore(%arg11 : memref<!tpu.dma_semaphore, #tpu.memory_space<semaphore_mem>>) src(%dma_wait3A_432 : memref<65536x16xf32, #tpu.memory_space<hbm>>) dst(%dma_wait3A_426 : memref<128x16xf32, #tpu.memory_space<vmem>>)
    %dma_wait3A_433 = arith.constant 4 : i32
    %dma_wait3A_434 = arith.constant 4 : i32
    %dma_wait3A_435 = arith.constant 0 : i32
    %dma_wait3A_436 = arith.constant 0 : i32
    %dma_wait3A_437 = tpu.memref_slice %arg10[%dma_wait3A_434, %dma_wait3A_435, %dma_wait3A_436] : memref<5x512x16xf32, #tpu.memory_space<vmem>> -> memref<1x128x16xf32, #tpu.memory_space<vmem>>
    %dma_wait3A_438 = tpu.memref_squeeze %dma_wait3A_437 : memref<1x128x16xf32, #tpu.memory_space<vmem>> -> memref<128x16xf32, #tpu.memory_space<vmem>>
    %dma_wait3A_439 = arith.constant 0 : i32
    %dma_wait3A_440 = tpu.memref_slice %arg9[%dma_wait3A_433, %dma_wait3A_439] : memref<5x512xi32, #tpu.memory_space<vmem>> -> memref<1x128xi32, #tpu.memory_space<vmem>>
    %dma_wait3A_441 = tpu.memref_squeeze %dma_wait3A_440 : memref<1x128xi32, #tpu.memory_space<vmem>> -> memref<128xi32, #tpu.memory_space<vmem>>
    %dma_wait3A_442 = arith.constant 0 : i32
    %dma_wait3A_443 = arith.constant 0 : i32
    %dma_wait3A_444 = tpu.memref_slice %arg6[%dma_wait3A_442, %dma_wait3A_443] : memref<256x16xf32, #tpu.memory_space<hbm>> -> memref<256x16xf32, #tpu.memory_space<hbm>>
    tpu.wait_indirect_dma semaphore(%arg11 : memref<!tpu.dma_semaphore, #tpu.memory_space<semaphore_mem>>) src(%dma_wait3A_444 : memref<256x16xf32, #tpu.memory_space<hbm>>) dst(%dma_wait3A_438 : memref<128x16xf32, #tpu.memory_space<vmem>>)
    %dma_wait3A_445 = arith.constant 4 : i32
    %dma_wait3A_446 = arith.constant 4 : i32
    %dma_wait3A_447 = arith.constant 128 : i32
    %dma_wait3A_448 = arith.constant 0 : i32
    %dma_wait3A_449 = tpu.memref_slice %arg10[%dma_wait3A_446, %dma_wait3A_447, %dma_wait3A_448] : memref<5x512x16xf32, #tpu.memory_space<vmem>> -> memref<1x128x16xf32, #tpu.memory_space<vmem>>
    %dma_wait3A_450 = tpu.memref_squeeze %dma_wait3A_449 : memref<1x128x16xf32, #tpu.memory_space<vmem>> -> memref<128x16xf32, #tpu.memory_space<vmem>>
    %dma_wait3A_451 = arith.constant 128 : i32
    %dma_wait3A_452 = tpu.memref_slice %arg9[%dma_wait3A_445, %dma_wait3A_451] : memref<5x512xi32, #tpu.memory_space<vmem>> -> memref<1x128xi32, #tpu.memory_space<vmem>>
    %dma_wait3A_453 = tpu.memref_squeeze %dma_wait3A_452 : memref<1x128xi32, #tpu.memory_space<vmem>> -> memref<128xi32, #tpu.memory_space<vmem>>
    %dma_wait3A_454 = arith.constant 0 : i32
    %dma_wait3A_455 = arith.constant 0 : i32
    %dma_wait3A_456 = tpu.memref_slice %arg6[%dma_wait3A_454, %dma_wait3A_455] : memref<256x16xf32, #tpu.memory_space<hbm>> -> memref<256x16xf32, #tpu.memory_space<hbm>>
    tpu.wait_indirect_dma semaphore(%arg11 : memref<!tpu.dma_semaphore, #tpu.memory_space<semaphore_mem>>) src(%dma_wait3A_456 : memref<256x16xf32, #tpu.memory_space<hbm>>) dst(%dma_wait3A_450 : memref<128x16xf32, #tpu.memory_space<vmem>>)
    %dma_wait3A_457 = arith.constant 4 : i32
    %dma_wait3A_458 = arith.constant 4 : i32
    %dma_wait3A_459 = arith.constant 256 : i32
    %dma_wait3A_460 = arith.constant 0 : i32
    %dma_wait3A_461 = tpu.memref_slice %arg10[%dma_wait3A_458, %dma_wait3A_459, %dma_wait3A_460] : memref<5x512x16xf32, #tpu.memory_space<vmem>> -> memref<1x128x16xf32, #tpu.memory_space<vmem>>
    %dma_wait3A_462 = tpu.memref_squeeze %dma_wait3A_461 : memref<1x128x16xf32, #tpu.memory_space<vmem>> -> memref<128x16xf32, #tpu.memory_space<vmem>>
    %dma_wait3A_463 = arith.constant 256 : i32
    %dma_wait3A_464 = tpu.memref_slice %arg9[%dma_wait3A_457, %dma_wait3A_463] : memref<5x512xi32, #tpu.memory_space<vmem>> -> memref<1x128xi32, #tpu.memory_space<vmem>>
    %dma_wait3A_465 = tpu.memref_squeeze %dma_wait3A_464 : memref<1x128xi32, #tpu.memory_space<vmem>> -> memref<128xi32, #tpu.memory_space<vmem>>
    %dma_wait3A_466 = arith.constant 0 : i32
    %dma_wait3A_467 = arith.constant 0 : i32
    %dma_wait3A_468 = tpu.memref_slice %arg6[%dma_wait3A_466, %dma_wait3A_467] : memref<256x16xf32, #tpu.memory_space<hbm>> -> memref<256x16xf32, #tpu.memory_space<hbm>>
    tpu.wait_indirect_dma semaphore(%arg11 : memref<!tpu.dma_semaphore, #tpu.memory_space<semaphore_mem>>) src(%dma_wait3A_468 : memref<256x16xf32, #tpu.memory_space<hbm>>) dst(%dma_wait3A_462 : memref<128x16xf32, #tpu.memory_space<vmem>>)
    %dma_wait3A_469 = arith.constant 4 : i32
    %dma_wait3A_470 = arith.constant 4 : i32
    %dma_wait3A_471 = arith.constant 384 : i32
    %dma_wait3A_472 = arith.constant 0 : i32
    %dma_wait3A_473 = tpu.memref_slice %arg10[%dma_wait3A_470, %dma_wait3A_471, %dma_wait3A_472] : memref<5x512x16xf32, #tpu.memory_space<vmem>> -> memref<1x128x16xf32, #tpu.memory_space<vmem>>
    %dma_wait3A_474 = tpu.memref_squeeze %dma_wait3A_473 : memref<1x128x16xf32, #tpu.memory_space<vmem>> -> memref<128x16xf32, #tpu.memory_space<vmem>>
    %dma_wait3A_475 = arith.constant 384 : i32
    %dma_wait3A_476 = tpu.memref_slice %arg9[%dma_wait3A_469, %dma_wait3A_475] : memref<5x512xi32, #tpu.memory_space<vmem>> -> memref<1x128xi32, #tpu.memory_space<vmem>>
    %dma_wait3A_477 = tpu.memref_squeeze %dma_wait3A_476 : memref<1x128xi32, #tpu.memory_space<vmem>> -> memref<128xi32, #tpu.memory_space<vmem>>
    %dma_wait3A_478 = arith.constant 0 : i32
    %dma_wait3A_479 = arith.constant 0 : i32
    %dma_wait3A_480 = tpu.memref_slice %arg6[%dma_wait3A_478, %dma_wait3A_479] : memref<256x16xf32, #tpu.memory_space<hbm>> -> memref<256x16xf32, #tpu.memory_space<hbm>>
    tpu.wait_indirect_dma semaphore(%arg11 : memref<!tpu.dma_semaphore, #tpu.memory_space<semaphore_mem>>) src(%dma_wait3A_480 : memref<256x16xf32, #tpu.memory_space<hbm>>) dst(%dma_wait3A_474 : memref<128x16xf32, #tpu.memory_space<vmem>>)
    %run_scoped3A = arith.constant 0 : i32
    %run_scoped3A_481 = arith.constant 0 : i32
    "tpu.region"() ({
      %run_scoped3A_490 = tpu.sem_alloc : memref<!tpu.dma_semaphore, #tpu.memory_space<semaphore_mem>>
      %dma_start3A_491 = arith.constant 0 : i32
      %dma_start3A_492 = arith.constant 0 : i32
      %dma_start3A_493 = tpu.memref_slice %arg10[%run_scoped3A, %dma_start3A_491, %dma_start3A_492] : memref<5x512x16xf32, #tpu.memory_space<vmem>> -> memref<1x512x16xf32, #tpu.memory_space<vmem>>
      %dma_start3A_494 = tpu.memref_squeeze %dma_start3A_493 : memref<1x512x16xf32, #tpu.memory_space<vmem>> -> memref<512x16xf32, #tpu.memory_space<vmem>>
      %dma_start3A_495 = arith.constant 0 : i32
      %dma_start3A_496 = tpu.memref_slice %arg8[%run_scoped3A_481, %mul3A_2, %dma_start3A_495] : memref<5x16384x16xf32, #tpu.memory_space<hbm>> -> memref<1x512x16xf32, #tpu.memory_space<hbm>>
      %dma_start3A_497 = tpu.memref_squeeze %dma_start3A_496 : memref<1x512x16xf32, #tpu.memory_space<hbm>> -> memref<512x16xf32, #tpu.memory_space<hbm>>
      %dma_start3A_498 = arith.constant 0 : i32
      %dma_start3A_499 = tpu.memref_slice %arg8[%run_scoped3A_481, %mul3A_2, %dma_start3A_498] : memref<5x16384x16xf32, #tpu.memory_space<hbm>> -> memref<1x512x16xf32, #tpu.memory_space<hbm>>
      %dma_start3A_500 = tpu.memref_squeeze %dma_start3A_499 : memref<1x512x16xf32, #tpu.memory_space<hbm>> -> memref<512x16xf32, #tpu.memory_space<hbm>>
      %dma_start3A_501 = arith.constant 0 : i32
      %dma_start3A_502 = arith.constant 0 : i32
      %dma_start3A_503 = tpu.memref_slice %arg10[%run_scoped3A, %dma_start3A_501, %dma_start3A_502] : memref<5x512x16xf32, #tpu.memory_space<vmem>> -> memref<1x512x16xf32, #tpu.memory_space<vmem>>
      %dma_start3A_504 = tpu.memref_squeeze %dma_start3A_503 : memref<1x512x16xf32, #tpu.memory_space<vmem>> -> memref<512x16xf32, #tpu.memory_space<vmem>>
      tpu.enqueue_dma source(%dma_start3A_504 : memref<512x16xf32, #tpu.memory_space<vmem>>) target(%dma_start3A_500 : memref<512x16xf32, #tpu.memory_space<hbm>>) target_semaphore(%run_scoped3A_490 : memref<!tpu.dma_semaphore, #tpu.memory_space<semaphore_mem>>)
      %dma_wait3A_505 = arith.constant 0 : i32
      %dma_wait3A_506 = arith.constant 0 : i32
      %dma_wait3A_507 = tpu.memref_slice %arg10[%run_scoped3A, %dma_wait3A_505, %dma_wait3A_506] : memref<5x512x16xf32, #tpu.memory_space<vmem>> -> memref<1x512x16xf32, #tpu.memory_space<vmem>>
      %dma_wait3A_508 = tpu.memref_squeeze %dma_wait3A_507 : memref<1x512x16xf32, #tpu.memory_space<vmem>> -> memref<512x16xf32, #tpu.memory_space<vmem>>
      %dma_wait3A_509 = arith.constant 0 : i32
      %dma_wait3A_510 = tpu.memref_slice %arg8[%run_scoped3A_481, %mul3A_2, %dma_wait3A_509] : memref<5x16384x16xf32, #tpu.memory_space<hbm>> -> memref<1x512x16xf32, #tpu.memory_space<hbm>>
      %dma_wait3A_511 = tpu.memref_squeeze %dma_wait3A_510 : memref<1x512x16xf32, #tpu.memory_space<hbm>> -> memref<512x16xf32, #tpu.memory_space<hbm>>
      %dma_wait3A_512 = arith.constant 0 : i32
      %dma_wait3A_513 = tpu.memref_slice %arg8[%run_scoped3A_481, %mul3A_2, %dma_wait3A_512] : memref<5x16384x16xf32, #tpu.memory_space<hbm>> -> memref<1x512x16xf32, #tpu.memory_space<hbm>>
      %dma_wait3A_514 = tpu.memref_squeeze %dma_wait3A_513 : memref<1x512x16xf32, #tpu.memory_space<hbm>> -> memref<512x16xf32, #tpu.memory_space<hbm>>
      %dma_wait3A_515 = arith.constant 0 : i32
      %dma_wait3A_516 = arith.constant 0 : i32
      %dma_wait3A_517 = tpu.memref_slice %arg10[%run_scoped3A, %dma_wait3A_515, %dma_wait3A_516] : memref<5x512x16xf32, #tpu.memory_space<vmem>> -> memref<1x512x16xf32, #tpu.memory_space<vmem>>
      %dma_wait3A_518 = tpu.memref_squeeze %dma_wait3A_517 : memref<1x512x16xf32, #tpu.memory_space<vmem>> -> memref<512x16xf32, #tpu.memory_space<vmem>>
      tpu.wait_dma2 semaphore(%run_scoped3A_490 : memref<!tpu.dma_semaphore, #tpu.memory_space<semaphore_mem>>) src(%dma_wait3A_518 : memref<512x16xf32, #tpu.memory_space<vmem>>) dst(%dma_wait3A_514 : memref<512x16xf32, #tpu.memory_space<hbm>>)
      tpu.yield
    }) : () -> ()
    %run_scoped3A_482 = arith.constant 1 : i32
    %run_scoped3A_483 = arith.constant 1 : i32
    "tpu.region"() ({
      %run_scoped3A_490 = tpu.sem_alloc : memref<!tpu.dma_semaphore, #tpu.memory_space<semaphore_mem>>
      %dma_start3A_491 = arith.constant 0 : i32
      %dma_start3A_492 = arith.constant 0 : i32
      %dma_start3A_493 = tpu.memref_slice %arg10[%run_scoped3A_482, %dma_start3A_491, %dma_start3A_492] : memref<5x512x16xf32, #tpu.memory_space<vmem>> -> memref<1x512x16xf32, #tpu.memory_space<vmem>>
      %dma_start3A_494 = tpu.memref_squeeze %dma_start3A_493 : memref<1x512x16xf32, #tpu.memory_space<vmem>> -> memref<512x16xf32, #tpu.memory_space<vmem>>
      %dma_start3A_495 = arith.constant 0 : i32
      %dma_start3A_496 = tpu.memref_slice %arg8[%run_scoped3A_483, %mul3A_2, %dma_start3A_495] : memref<5x16384x16xf32, #tpu.memory_space<hbm>> -> memref<1x512x16xf32, #tpu.memory_space<hbm>>
      %dma_start3A_497 = tpu.memref_squeeze %dma_start3A_496 : memref<1x512x16xf32, #tpu.memory_space<hbm>> -> memref<512x16xf32, #tpu.memory_space<hbm>>
      %dma_start3A_498 = arith.constant 0 : i32
      %dma_start3A_499 = tpu.memref_slice %arg8[%run_scoped3A_483, %mul3A_2, %dma_start3A_498] : memref<5x16384x16xf32, #tpu.memory_space<hbm>> -> memref<1x512x16xf32, #tpu.memory_space<hbm>>
      %dma_start3A_500 = tpu.memref_squeeze %dma_start3A_499 : memref<1x512x16xf32, #tpu.memory_space<hbm>> -> memref<512x16xf32, #tpu.memory_space<hbm>>
      %dma_start3A_501 = arith.constant 0 : i32
      %dma_start3A_502 = arith.constant 0 : i32
      %dma_start3A_503 = tpu.memref_slice %arg10[%run_scoped3A_482, %dma_start3A_501, %dma_start3A_502] : memref<5x512x16xf32, #tpu.memory_space<vmem>> -> memref<1x512x16xf32, #tpu.memory_space<vmem>>
      %dma_start3A_504 = tpu.memref_squeeze %dma_start3A_503 : memref<1x512x16xf32, #tpu.memory_space<vmem>> -> memref<512x16xf32, #tpu.memory_space<vmem>>
      tpu.enqueue_dma source(%dma_start3A_504 : memref<512x16xf32, #tpu.memory_space<vmem>>) target(%dma_start3A_500 : memref<512x16xf32, #tpu.memory_space<hbm>>) target_semaphore(%run_scoped3A_490 : memref<!tpu.dma_semaphore, #tpu.memory_space<semaphore_mem>>)
      %dma_wait3A_505 = arith.constant 0 : i32
      %dma_wait3A_506 = arith.constant 0 : i32
      %dma_wait3A_507 = tpu.memref_slice %arg10[%run_scoped3A_482, %dma_wait3A_505, %dma_wait3A_506] : memref<5x512x16xf32, #tpu.memory_space<vmem>> -> memref<1x512x16xf32, #tpu.memory_space<vmem>>
      %dma_wait3A_508 = tpu.memref_squeeze %dma_wait3A_507 : memref<1x512x16xf32, #tpu.memory_space<vmem>> -> memref<512x16xf32, #tpu.memory_space<vmem>>
      %dma_wait3A_509 = arith.constant 0 : i32
      %dma_wait3A_510 = tpu.memref_slice %arg8[%run_scoped3A_483, %mul3A_2, %dma_wait3A_509] : memref<5x16384x16xf32, #tpu.memory_space<hbm>> -> memref<1x512x16xf32, #tpu.memory_space<hbm>>
      %dma_wait3A_511 = tpu.memref_squeeze %dma_wait3A_510 : memref<1x512x16xf32, #tpu.memory_space<hbm>> -> memref<512x16xf32, #tpu.memory_space<hbm>>
      %dma_wait3A_512 = arith.constant 0 : i32
      %dma_wait3A_513 = tpu.memref_slice %arg8[%run_scoped3A_483, %mul3A_2, %dma_wait3A_512] : memref<5x16384x16xf32, #tpu.memory_space<hbm>> -> memref<1x512x16xf32, #tpu.memory_space<hbm>>
      %dma_wait3A_514 = tpu.memref_squeeze %dma_wait3A_513 : memref<1x512x16xf32, #tpu.memory_space<hbm>> -> memref<512x16xf32, #tpu.memory_space<hbm>>
      %dma_wait3A_515 = arith.constant 0 : i32
      %dma_wait3A_516 = arith.constant 0 : i32
      %dma_wait3A_517 = tpu.memref_slice %arg10[%run_scoped3A_482, %dma_wait3A_515, %dma_wait3A_516] : memref<5x512x16xf32, #tpu.memory_space<vmem>> -> memref<1x512x16xf32, #tpu.memory_space<vmem>>
      %dma_wait3A_518 = tpu.memref_squeeze %dma_wait3A_517 : memref<1x512x16xf32, #tpu.memory_space<vmem>> -> memref<512x16xf32, #tpu.memory_space<vmem>>
      tpu.wait_dma2 semaphore(%run_scoped3A_490 : memref<!tpu.dma_semaphore, #tpu.memory_space<semaphore_mem>>) src(%dma_wait3A_518 : memref<512x16xf32, #tpu.memory_space<vmem>>) dst(%dma_wait3A_514 : memref<512x16xf32, #tpu.memory_space<hbm>>)
      tpu.yield
    }) : () -> ()
    %run_scoped3A_484 = arith.constant 2 : i32
    %run_scoped3A_485 = arith.constant 2 : i32
    "tpu.region"() ({
      %run_scoped3A_490 = tpu.sem_alloc : memref<!tpu.dma_semaphore, #tpu.memory_space<semaphore_mem>>
      %dma_start3A_491 = arith.constant 0 : i32
      %dma_start3A_492 = arith.constant 0 : i32
      %dma_start3A_493 = tpu.memref_slice %arg10[%run_scoped3A_484, %dma_start3A_491, %dma_start3A_492] : memref<5x512x16xf32, #tpu.memory_space<vmem>> -> memref<1x512x16xf32, #tpu.memory_space<vmem>>
      %dma_start3A_494 = tpu.memref_squeeze %dma_start3A_493 : memref<1x512x16xf32, #tpu.memory_space<vmem>> -> memref<512x16xf32, #tpu.memory_space<vmem>>
      %dma_start3A_495 = arith.constant 0 : i32
      %dma_start3A_496 = tpu.memref_slice %arg8[%run_scoped3A_485, %mul3A_2, %dma_start3A_495] : memref<5x16384x16xf32, #tpu.memory_space<hbm>> -> memref<1x512x16xf32, #tpu.memory_space<hbm>>
      %dma_start3A_497 = tpu.memref_squeeze %dma_start3A_496 : memref<1x512x16xf32, #tpu.memory_space<hbm>> -> memref<512x16xf32, #tpu.memory_space<hbm>>
      %dma_start3A_498 = arith.constant 0 : i32
      %dma_start3A_499 = tpu.memref_slice %arg8[%run_scoped3A_485, %mul3A_2, %dma_start3A_498] : memref<5x16384x16xf32, #tpu.memory_space<hbm>> -> memref<1x512x16xf32, #tpu.memory_space<hbm>>
      %dma_start3A_500 = tpu.memref_squeeze %dma_start3A_499 : memref<1x512x16xf32, #tpu.memory_space<hbm>> -> memref<512x16xf32, #tpu.memory_space<hbm>>
      %dma_start3A_501 = arith.constant 0 : i32
      %dma_start3A_502 = arith.constant 0 : i32
      %dma_start3A_503 = tpu.memref_slice %arg10[%run_scoped3A_484, %dma_start3A_501, %dma_start3A_502] : memref<5x512x16xf32, #tpu.memory_space<vmem>> -> memref<1x512x16xf32, #tpu.memory_space<vmem>>
      %dma_start3A_504 = tpu.memref_squeeze %dma_start3A_503 : memref<1x512x16xf32, #tpu.memory_space<vmem>> -> memref<512x16xf32, #tpu.memory_space<vmem>>
      tpu.enqueue_dma source(%dma_start3A_504 : memref<512x16xf32, #tpu.memory_space<vmem>>) target(%dma_start3A_500 : memref<512x16xf32, #tpu.memory_space<hbm>>) target_semaphore(%run_scoped3A_490 : memref<!tpu.dma_semaphore, #tpu.memory_space<semaphore_mem>>)
      %dma_wait3A_505 = arith.constant 0 : i32
      %dma_wait3A_506 = arith.constant 0 : i32
      %dma_wait3A_507 = tpu.memref_slice %arg10[%run_scoped3A_484, %dma_wait3A_505, %dma_wait3A_506] : memref<5x512x16xf32, #tpu.memory_space<vmem>> -> memref<1x512x16xf32, #tpu.memory_space<vmem>>
      %dma_wait3A_508 = tpu.memref_squeeze %dma_wait3A_507 : memref<1x512x16xf32, #tpu.memory_space<vmem>> -> memref<512x16xf32, #tpu.memory_space<vmem>>
      %dma_wait3A_509 = arith.constant 0 : i32
      %dma_wait3A_510 = tpu.memref_slice %arg8[%run_scoped3A_485, %mul3A_2, %dma_wait3A_509] : memref<5x16384x16xf32, #tpu.memory_space<hbm>> -> memref<1x512x16xf32, #tpu.memory_space<hbm>>
      %dma_wait3A_511 = tpu.memref_squeeze %dma_wait3A_510 : memref<1x512x16xf32, #tpu.memory_space<hbm>> -> memref<512x16xf32, #tpu.memory_space<hbm>>
      %dma_wait3A_512 = arith.constant 0 : i32
      %dma_wait3A_513 = tpu.memref_slice %arg8[%run_scoped3A_485, %mul3A_2, %dma_wait3A_512] : memref<5x16384x16xf32, #tpu.memory_space<hbm>> -> memref<1x512x16xf32, #tpu.memory_space<hbm>>
      %dma_wait3A_514 = tpu.memref_squeeze %dma_wait3A_513 : memref<1x512x16xf32, #tpu.memory_space<hbm>> -> memref<512x16xf32, #tpu.memory_space<hbm>>
      %dma_wait3A_515 = arith.constant 0 : i32
      %dma_wait3A_516 = arith.constant 0 : i32
      %dma_wait3A_517 = tpu.memref_slice %arg10[%run_scoped3A_484, %dma_wait3A_515, %dma_wait3A_516] : memref<5x512x16xf32, #tpu.memory_space<vmem>> -> memref<1x512x16xf32, #tpu.memory_space<vmem>>
      %dma_wait3A_518 = tpu.memref_squeeze %dma_wait3A_517 : memref<1x512x16xf32, #tpu.memory_space<vmem>> -> memref<512x16xf32, #tpu.memory_space<vmem>>
      tpu.wait_dma2 semaphore(%run_scoped3A_490 : memref<!tpu.dma_semaphore, #tpu.memory_space<semaphore_mem>>) src(%dma_wait3A_518 : memref<512x16xf32, #tpu.memory_space<vmem>>) dst(%dma_wait3A_514 : memref<512x16xf32, #tpu.memory_space<hbm>>)
      tpu.yield
    }) : () -> ()
    %run_scoped3A_486 = arith.constant 3 : i32
    %run_scoped3A_487 = arith.constant 3 : i32
    "tpu.region"() ({
      %run_scoped3A_490 = tpu.sem_alloc : memref<!tpu.dma_semaphore, #tpu.memory_space<semaphore_mem>>
      %dma_start3A_491 = arith.constant 0 : i32
      %dma_start3A_492 = arith.constant 0 : i32
      %dma_start3A_493 = tpu.memref_slice %arg10[%run_scoped3A_486, %dma_start3A_491, %dma_start3A_492] : memref<5x512x16xf32, #tpu.memory_space<vmem>> -> memref<1x512x16xf32, #tpu.memory_space<vmem>>
      %dma_start3A_494 = tpu.memref_squeeze %dma_start3A_493 : memref<1x512x16xf32, #tpu.memory_space<vmem>> -> memref<512x16xf32, #tpu.memory_space<vmem>>
      %dma_start3A_495 = arith.constant 0 : i32
      %dma_start3A_496 = tpu.memref_slice %arg8[%run_scoped3A_487, %mul3A_2, %dma_start3A_495] : memref<5x16384x16xf32, #tpu.memory_space<hbm>> -> memref<1x512x16xf32, #tpu.memory_space<hbm>>
      %dma_start3A_497 = tpu.memref_squeeze %dma_start3A_496 : memref<1x512x16xf32, #tpu.memory_space<hbm>> -> memref<512x16xf32, #tpu.memory_space<hbm>>
      %dma_start3A_498 = arith.constant 0 : i32
      %dma_start3A_499 = tpu.memref_slice %arg8[%run_scoped3A_487, %mul3A_2, %dma_start3A_498] : memref<5x16384x16xf32, #tpu.memory_space<hbm>> -> memref<1x512x16xf32, #tpu.memory_space<hbm>>
      %dma_start3A_500 = tpu.memref_squeeze %dma_start3A_499 : memref<1x512x16xf32, #tpu.memory_space<hbm>> -> memref<512x16xf32, #tpu.memory_space<hbm>>
      %dma_start3A_501 = arith.constant 0 : i32
      %dma_start3A_502 = arith.constant 0 : i32
      %dma_start3A_503 = tpu.memref_slice %arg10[%run_scoped3A_486, %dma_start3A_501, %dma_start3A_502] : memref<5x512x16xf32, #tpu.memory_space<vmem>> -> memref<1x512x16xf32, #tpu.memory_space<vmem>>
      %dma_start3A_504 = tpu.memref_squeeze %dma_start3A_503 : memref<1x512x16xf32, #tpu.memory_space<vmem>> -> memref<512x16xf32, #tpu.memory_space<vmem>>
      tpu.enqueue_dma source(%dma_start3A_504 : memref<512x16xf32, #tpu.memory_space<vmem>>) target(%dma_start3A_500 : memref<512x16xf32, #tpu.memory_space<hbm>>) target_semaphore(%run_scoped3A_490 : memref<!tpu.dma_semaphore, #tpu.memory_space<semaphore_mem>>)
      %dma_wait3A_505 = arith.constant 0 : i32
      %dma_wait3A_506 = arith.constant 0 : i32
      %dma_wait3A_507 = tpu.memref_slice %arg10[%run_scoped3A_486, %dma_wait3A_505, %dma_wait3A_506] : memref<5x512x16xf32, #tpu.memory_space<vmem>> -> memref<1x512x16xf32, #tpu.memory_space<vmem>>
      %dma_wait3A_508 = tpu.memref_squeeze %dma_wait3A_507 : memref<1x512x16xf32, #tpu.memory_space<vmem>> -> memref<512x16xf32, #tpu.memory_space<vmem>>
      %dma_wait3A_509 = arith.constant 0 : i32
      %dma_wait3A_510 = tpu.memref_slice %arg8[%run_scoped3A_487, %mul3A_2, %dma_wait3A_509] : memref<5x16384x16xf32, #tpu.memory_space<hbm>> -> memref<1x512x16xf32, #tpu.memory_space<hbm>>
      %dma_wait3A_511 = tpu.memref_squeeze %dma_wait3A_510 : memref<1x512x16xf32, #tpu.memory_space<hbm>> -> memref<512x16xf32, #tpu.memory_space<hbm>>
      %dma_wait3A_512 = arith.constant 0 : i32
      %dma_wait3A_513 = tpu.memref_slice %arg8[%run_scoped3A_487, %mul3A_2, %dma_wait3A_512] : memref<5x16384x16xf32, #tpu.memory_space<hbm>> -> memref<1x512x16xf32, #tpu.memory_space<hbm>>
      %dma_wait3A_514 = tpu.memref_squeeze %dma_wait3A_513 : memref<1x512x16xf32, #tpu.memory_space<hbm>> -> memref<512x16xf32, #tpu.memory_space<hbm>>
      %dma_wait3A_515 = arith.constant 0 : i32
      %dma_wait3A_516 = arith.constant 0 : i32
      %dma_wait3A_517 = tpu.memref_slice %arg10[%run_scoped3A_486, %dma_wait3A_515, %dma_wait3A_516] : memref<5x512x16xf32, #tpu.memory_space<vmem>> -> memref<1x512x16xf32, #tpu.memory_space<vmem>>
      %dma_wait3A_518 = tpu.memref_squeeze %dma_wait3A_517 : memref<1x512x16xf32, #tpu.memory_space<vmem>> -> memref<512x16xf32, #tpu.memory_space<vmem>>
      tpu.wait_dma2 semaphore(%run_scoped3A_490 : memref<!tpu.dma_semaphore, #tpu.memory_space<semaphore_mem>>) src(%dma_wait3A_518 : memref<512x16xf32, #tpu.memory_space<vmem>>) dst(%dma_wait3A_514 : memref<512x16xf32, #tpu.memory_space<hbm>>)
      tpu.yield
    }) : () -> ()
    %run_scoped3A_488 = arith.constant 4 : i32
    %run_scoped3A_489 = arith.constant 4 : i32
    "tpu.region"() ({
      %run_scoped3A_490 = tpu.sem_alloc : memref<!tpu.dma_semaphore, #tpu.memory_space<semaphore_mem>>
      %dma_start3A_491 = arith.constant 0 : i32
      %dma_start3A_492 = arith.constant 0 : i32
      %dma_start3A_493 = tpu.memref_slice %arg10[%run_scoped3A_488, %dma_start3A_491, %dma_start3A_492] : memref<5x512x16xf32, #tpu.memory_space<vmem>> -> memref<1x512x16xf32, #tpu.memory_space<vmem>>
      %dma_start3A_494 = tpu.memref_squeeze %dma_start3A_493 : memref<1x512x16xf32, #tpu.memory_space<vmem>> -> memref<512x16xf32, #tpu.memory_space<vmem>>
      %dma_start3A_495 = arith.constant 0 : i32
      %dma_start3A_496 = tpu.memref_slice %arg8[%run_scoped3A_489, %mul3A_2, %dma_start3A_495] : memref<5x16384x16xf32, #tpu.memory_space<hbm>> -> memref<1x512x16xf32, #tpu.memory_space<hbm>>
      %dma_start3A_497 = tpu.memref_squeeze %dma_start3A_496 : memref<1x512x16xf32, #tpu.memory_space<hbm>> -> memref<512x16xf32, #tpu.memory_space<hbm>>
      %dma_start3A_498 = arith.constant 0 : i32
      %dma_start3A_499 = tpu.memref_slice %arg8[%run_scoped3A_489, %mul3A_2, %dma_start3A_498] : memref<5x16384x16xf32, #tpu.memory_space<hbm>> -> memref<1x512x16xf32, #tpu.memory_space<hbm>>
      %dma_start3A_500 = tpu.memref_squeeze %dma_start3A_499 : memref<1x512x16xf32, #tpu.memory_space<hbm>> -> memref<512x16xf32, #tpu.memory_space<hbm>>
      %dma_start3A_501 = arith.constant 0 : i32
      %dma_start3A_502 = arith.constant 0 : i32
      %dma_start3A_503 = tpu.memref_slice %arg10[%run_scoped3A_488, %dma_start3A_501, %dma_start3A_502] : memref<5x512x16xf32, #tpu.memory_space<vmem>> -> memref<1x512x16xf32, #tpu.memory_space<vmem>>
      %dma_start3A_504 = tpu.memref_squeeze %dma_start3A_503 : memref<1x512x16xf32, #tpu.memory_space<vmem>> -> memref<512x16xf32, #tpu.memory_space<vmem>>
      tpu.enqueue_dma source(%dma_start3A_504 : memref<512x16xf32, #tpu.memory_space<vmem>>) target(%dma_start3A_500 : memref<512x16xf32, #tpu.memory_space<hbm>>) target_semaphore(%run_scoped3A_490 : memref<!tpu.dma_semaphore, #tpu.memory_space<semaphore_mem>>)
      %dma_wait3A_505 = arith.constant 0 : i32
      %dma_wait3A_506 = arith.constant 0 : i32
      %dma_wait3A_507 = tpu.memref_slice %arg10[%run_scoped3A_488, %dma_wait3A_505, %dma_wait3A_506] : memref<5x512x16xf32, #tpu.memory_space<vmem>> -> memref<1x512x16xf32, #tpu.memory_space<vmem>>
      %dma_wait3A_508 = tpu.memref_squeeze %dma_wait3A_507 : memref<1x512x16xf32, #tpu.memory_space<vmem>> -> memref<512x16xf32, #tpu.memory_space<vmem>>
      %dma_wait3A_509 = arith.constant 0 : i32
      %dma_wait3A_510 = tpu.memref_slice %arg8[%run_scoped3A_489, %mul3A_2, %dma_wait3A_509] : memref<5x16384x16xf32, #tpu.memory_space<hbm>> -> memref<1x512x16xf32, #tpu.memory_space<hbm>>
      %dma_wait3A_511 = tpu.memref_squeeze %dma_wait3A_510 : memref<1x512x16xf32, #tpu.memory_space<hbm>> -> memref<512x16xf32, #tpu.memory_space<hbm>>
      %dma_wait3A_512 = arith.constant 0 : i32
      %dma_wait3A_513 = tpu.memref_slice %arg8[%run_scoped3A_489, %mul3A_2, %dma_wait3A_512] : memref<5x16384x16xf32, #tpu.memory_space<hbm>> -> memref<1x512x16xf32, #tpu.memory_space<hbm>>
      %dma_wait3A_514 = tpu.memref_squeeze %dma_wait3A_513 : memref<1x512x16xf32, #tpu.memory_space<hbm>> -> memref<512x16xf32, #tpu.memory_space<hbm>>
      %dma_wait3A_515 = arith.constant 0 : i32
      %dma_wait3A_516 = arith.constant 0 : i32
      %dma_wait3A_517 = tpu.memref_slice %arg10[%run_scoped3A_488, %dma_wait3A_515, %dma_wait3A_516] : memref<5x512x16xf32, #tpu.memory_space<vmem>> -> memref<1x512x16xf32, #tpu.memory_space<vmem>>
      %dma_wait3A_518 = tpu.memref_squeeze %dma_wait3A_517 : memref<1x512x16xf32, #tpu.memory_space<vmem>> -> memref<512x16xf32, #tpu.memory_space<vmem>>
      tpu.wait_dma2 semaphore(%run_scoped3A_490 : memref<!tpu.dma_semaphore, #tpu.memory_space<semaphore_mem>>) src(%dma_wait3A_518 : memref<512x16xf32, #tpu.memory_space<vmem>>) dst(%dma_wait3A_514 : memref<512x16xf32, #tpu.memory_space<hbm>>)
      tpu.yield
    }) : () -> ()
    return
  }
}

module attributes {stable_mosaic.version = 14 : i64} {
  func.func @body(%arg0: i32, %arg1: memref<256x32xf32, #tpu.memory_space<vmem>>, %arg2: memref<5x256x128xf32, #tpu.memory_space<vmem>>, %arg3: memref<32x456xf32, #tpu.memory_space<vmem>>, %arg4: memref<5x128x456xf32, #tpu.memory_space<vmem>>, %arg5: memref<1x456xf32, #tpu.memory_space<vmem>>, %arg6: memref<456x456xf32, #tpu.memory_space<vmem>>, %arg7: memref<1x456xf32, #tpu.memory_space<vmem>>, %arg8: memref<456x16xf32, #tpu.memory_space<vmem>>, %arg9: memref<1x16xf32, #tpu.memory_space<vmem>>, %arg10: memref<256x16xf32, #tpu.memory_space<vmem>>) attributes {dimension_semantics = [#tpu.dimension_semantics<arbitrary>], iteration_bounds = array<i64: 8>, scalar_prefetch = 0 : i64, scratch_operands = 0 : i64, tpu.core_type = #tpu.core_type<tc>, window_params = [{transform_indices = @transform_0, window_bounds = array<i64: 256, 32>}, {transform_indices = @transform_1, window_bounds = array<i64: 5, 256, 128>}, {pipeline_mode = #tpu.pipeline_mode<synchronous>, transform_indices = @transform_2, window_bounds = array<i64: 32, 456>}, {pipeline_mode = #tpu.pipeline_mode<synchronous>, transform_indices = @transform_3, window_bounds = array<i64: 5, 128, 456>}, {pipeline_mode = #tpu.pipeline_mode<synchronous>, transform_indices = @transform_4, window_bounds = array<i64: 1, 456>}, {pipeline_mode = #tpu.pipeline_mode<synchronous>, transform_indices = @transform_5, window_bounds = array<i64: 456, 456>}, {pipeline_mode = #tpu.pipeline_mode<synchronous>, transform_indices = @transform_6, window_bounds = array<i64: 1, 456>}, {pipeline_mode = #tpu.pipeline_mode<synchronous>, transform_indices = @transform_7, window_bounds = array<i64: 456, 16>}, {pipeline_mode = #tpu.pipeline_mode<synchronous>, transform_indices = @transform_8, window_bounds = array<i64: 1, 16>}, {transform_indices = @transform_9, window_bounds = array<i64: 256, 16>}]} {
    %get3A = arith.constant 0 : index
    %get3A_0 = arith.constant 0 : index
    %get3A_1 = vector.load %arg1[%get3A, %get3A_0] : memref<256x32xf32, #tpu.memory_space<vmem>>, vector<256x32xf32>
    %get3A_2 = arith.constant 0 : index
    %get3A_3 = arith.constant 0 : index
    %get3A_4 = vector.load %arg3[%get3A_2, %get3A_3] : memref<32x456xf32, #tpu.memory_space<vmem>>, vector<32x456xf32>
    %dot_general3A = arith.constant dense<0.000000e+00> : vector<256x456xf32>
    %dot_general3A_5 = tpu.matmul %get3A_1, %get3A_4, %dot_general3A {dimension_numbers = #tpu.dot_dimension_numbers<[1], [0], [0], [1], [0, 0, 1, 1], [], []>, transpose_lhs_hint = false} : vector<256x32xf32>, vector<32x456xf32>, vector<256x456xf32> -> vector<256x456xf32>
    %get3A_6 = arith.constant 0 : index
    %get3A_7 = arith.constant 0 : index
    %get3A_8 = arith.constant 0 : index
    %get3A_9 = vector.load %arg2[%get3A_6, %get3A_7, %get3A_8] : memref<5x256x128xf32, #tpu.memory_space<vmem>>, vector<1x256x128xf32>
    %get3A_10 = vector.shape_cast %get3A_9 : vector<1x256x128xf32> to vector<256x128xf32>
    %get3A_11 = arith.constant 0 : index
    %get3A_12 = arith.constant 0 : index
    %get3A_13 = arith.constant 0 : index
    %get3A_14 = vector.load %arg4[%get3A_11, %get3A_12, %get3A_13] : memref<5x128x456xf32, #tpu.memory_space<vmem>>, vector<1x128x456xf32>
    %get3A_15 = vector.shape_cast %get3A_14 : vector<1x128x456xf32> to vector<128x456xf32>
    %dot_general3A_16 = arith.constant dense<0.000000e+00> : vector<256x456xf32>
    %dot_general3A_17 = tpu.matmul %get3A_10, %get3A_15, %dot_general3A_16 {dimension_numbers = #tpu.dot_dimension_numbers<[1], [0], [0], [1], [0, 0, 1, 1], [], []>, transpose_lhs_hint = false} : vector<256x128xf32>, vector<128x456xf32>, vector<256x456xf32> -> vector<256x456xf32>
    %add3A = arith.addf %dot_general3A_5, %dot_general3A_17 : vector<256x456xf32>
    %get3A_18 = arith.constant 1 : index
    %get3A_19 = arith.constant 0 : index
    %get3A_20 = arith.constant 0 : index
    %get3A_21 = vector.load %arg2[%get3A_18, %get3A_19, %get3A_20] : memref<5x256x128xf32, #tpu.memory_space<vmem>>, vector<1x256x128xf32>
    %get3A_22 = vector.shape_cast %get3A_21 : vector<1x256x128xf32> to vector<256x128xf32>
    %get3A_23 = arith.constant 1 : index
    %get3A_24 = arith.constant 0 : index
    %get3A_25 = arith.constant 0 : index
    %get3A_26 = vector.load %arg4[%get3A_23, %get3A_24, %get3A_25] : memref<5x128x456xf32, #tpu.memory_space<vmem>>, vector<1x128x456xf32>
    %get3A_27 = vector.shape_cast %get3A_26 : vector<1x128x456xf32> to vector<128x456xf32>
    %dot_general3A_28 = arith.constant dense<0.000000e+00> : vector<256x456xf32>
    %dot_general3A_29 = tpu.matmul %get3A_22, %get3A_27, %dot_general3A_28 {dimension_numbers = #tpu.dot_dimension_numbers<[1], [0], [0], [1], [0, 0, 1, 1], [], []>, transpose_lhs_hint = false} : vector<256x128xf32>, vector<128x456xf32>, vector<256x456xf32> -> vector<256x456xf32>
    %add3A_30 = arith.addf %add3A, %dot_general3A_29 : vector<256x456xf32>
    %get3A_31 = arith.constant 2 : index
    %get3A_32 = arith.constant 0 : index
    %get3A_33 = arith.constant 0 : index
    %get3A_34 = vector.load %arg2[%get3A_31, %get3A_32, %get3A_33] : memref<5x256x128xf32, #tpu.memory_space<vmem>>, vector<1x256x128xf32>
    %get3A_35 = vector.shape_cast %get3A_34 : vector<1x256x128xf32> to vector<256x128xf32>
    %get3A_36 = arith.constant 2 : index
    %get3A_37 = arith.constant 0 : index
    %get3A_38 = arith.constant 0 : index
    %get3A_39 = vector.load %arg4[%get3A_36, %get3A_37, %get3A_38] : memref<5x128x456xf32, #tpu.memory_space<vmem>>, vector<1x128x456xf32>
    %get3A_40 = vector.shape_cast %get3A_39 : vector<1x128x456xf32> to vector<128x456xf32>
    %dot_general3A_41 = arith.constant dense<0.000000e+00> : vector<256x456xf32>
    %dot_general3A_42 = tpu.matmul %get3A_35, %get3A_40, %dot_general3A_41 {dimension_numbers = #tpu.dot_dimension_numbers<[1], [0], [0], [1], [0, 0, 1, 1], [], []>, transpose_lhs_hint = false} : vector<256x128xf32>, vector<128x456xf32>, vector<256x456xf32> -> vector<256x456xf32>
    %add3A_43 = arith.addf %add3A_30, %dot_general3A_42 : vector<256x456xf32>
    %get3A_44 = arith.constant 3 : index
    %get3A_45 = arith.constant 0 : index
    %get3A_46 = arith.constant 0 : index
    %get3A_47 = vector.load %arg2[%get3A_44, %get3A_45, %get3A_46] : memref<5x256x128xf32, #tpu.memory_space<vmem>>, vector<1x256x128xf32>
    %get3A_48 = vector.shape_cast %get3A_47 : vector<1x256x128xf32> to vector<256x128xf32>
    %get3A_49 = arith.constant 3 : index
    %get3A_50 = arith.constant 0 : index
    %get3A_51 = arith.constant 0 : index
    %get3A_52 = vector.load %arg4[%get3A_49, %get3A_50, %get3A_51] : memref<5x128x456xf32, #tpu.memory_space<vmem>>, vector<1x128x456xf32>
    %get3A_53 = vector.shape_cast %get3A_52 : vector<1x128x456xf32> to vector<128x456xf32>
    %dot_general3A_54 = arith.constant dense<0.000000e+00> : vector<256x456xf32>
    %dot_general3A_55 = tpu.matmul %get3A_48, %get3A_53, %dot_general3A_54 {dimension_numbers = #tpu.dot_dimension_numbers<[1], [0], [0], [1], [0, 0, 1, 1], [], []>, transpose_lhs_hint = false} : vector<256x128xf32>, vector<128x456xf32>, vector<256x456xf32> -> vector<256x456xf32>
    %add3A_56 = arith.addf %add3A_43, %dot_general3A_55 : vector<256x456xf32>
    %get3A_57 = arith.constant 4 : index
    %get3A_58 = arith.constant 0 : index
    %get3A_59 = arith.constant 0 : index
    %get3A_60 = vector.load %arg2[%get3A_57, %get3A_58, %get3A_59] : memref<5x256x128xf32, #tpu.memory_space<vmem>>, vector<1x256x128xf32>
    %get3A_61 = vector.shape_cast %get3A_60 : vector<1x256x128xf32> to vector<256x128xf32>
    %get3A_62 = arith.constant 4 : index
    %get3A_63 = arith.constant 0 : index
    %get3A_64 = arith.constant 0 : index
    %get3A_65 = vector.load %arg4[%get3A_62, %get3A_63, %get3A_64] : memref<5x128x456xf32, #tpu.memory_space<vmem>>, vector<1x128x456xf32>
    %get3A_66 = vector.shape_cast %get3A_65 : vector<1x128x456xf32> to vector<128x456xf32>
    %dot_general3A_67 = arith.constant dense<0.000000e+00> : vector<256x456xf32>
    %dot_general3A_68 = tpu.matmul %get3A_61, %get3A_66, %dot_general3A_67 {dimension_numbers = #tpu.dot_dimension_numbers<[1], [0], [0], [1], [0, 0, 1, 1], [], []>, transpose_lhs_hint = false} : vector<256x128xf32>, vector<128x456xf32>, vector<256x456xf32> -> vector<256x456xf32>
    %add3A_69 = arith.addf %add3A_56, %dot_general3A_68 : vector<256x456xf32>
    %get3A_70 = arith.constant 0 : index
    %get3A_71 = arith.constant 0 : index
    %get3A_72 = vector.load %arg5[%get3A_70, %get3A_71] : memref<1x456xf32, #tpu.memory_space<vmem>>, vector<1x456xf32>
    %add3A_73 = vector.broadcast %get3A_72 : vector<1x456xf32> to vector<256x456xf32>
    %add3A_74 = arith.addf %add3A_69, %add3A_73 : vector<256x456xf32>
    %max3A = arith.constant 0.000000e+00 : f32
    %max3A_75 = vector.broadcast %max3A : f32 to vector<256x456xf32>
    %max3A_76 = arith.maximumf %add3A_74, %max3A_75 : vector<256x456xf32>
    %get3A_77 = arith.constant 0 : index
    %get3A_78 = arith.constant 0 : index
    %get3A_79 = vector.load %arg6[%get3A_77, %get3A_78] : memref<456x456xf32, #tpu.memory_space<vmem>>, vector<456x456xf32>
    %dot_general3A_80 = arith.constant dense<0.000000e+00> : vector<256x456xf32>
    %dot_general3A_81 = tpu.matmul %max3A_76, %get3A_79, %dot_general3A_80 {dimension_numbers = #tpu.dot_dimension_numbers<[1], [0], [0], [1], [0, 0, 1, 1], [], []>, transpose_lhs_hint = false} : vector<256x456xf32>, vector<456x456xf32>, vector<256x456xf32> -> vector<256x456xf32>
    %get3A_82 = arith.constant 0 : index
    %get3A_83 = arith.constant 0 : index
    %get3A_84 = vector.load %arg7[%get3A_82, %get3A_83] : memref<1x456xf32, #tpu.memory_space<vmem>>, vector<1x456xf32>
    %add3A_85 = vector.broadcast %get3A_84 : vector<1x456xf32> to vector<256x456xf32>
    %add3A_86 = arith.addf %dot_general3A_81, %add3A_85 : vector<256x456xf32>
    %max3A_87 = arith.constant 0.000000e+00 : f32
    %max3A_88 = vector.broadcast %max3A_87 : f32 to vector<256x456xf32>
    %max3A_89 = arith.maximumf %add3A_86, %max3A_88 : vector<256x456xf32>
    %get3A_90 = arith.constant 0 : index
    %get3A_91 = arith.constant 0 : index
    %get3A_92 = vector.load %arg8[%get3A_90, %get3A_91] : memref<456x16xf32, #tpu.memory_space<vmem>>, vector<456x16xf32>
    %dot_general3A_93 = arith.constant dense<0.000000e+00> : vector<256x16xf32>
    %dot_general3A_94 = tpu.matmul %max3A_89, %get3A_92, %dot_general3A_93 {dimension_numbers = #tpu.dot_dimension_numbers<[1], [0], [0], [1], [0, 0, 1, 1], [], []>, transpose_lhs_hint = false} : vector<256x456xf32>, vector<456x16xf32>, vector<256x16xf32> -> vector<256x16xf32>
    %get3A_95 = arith.constant 0 : index
    %get3A_96 = arith.constant 0 : index
    %get3A_97 = vector.load %arg9[%get3A_95, %get3A_96] : memref<1x16xf32, #tpu.memory_space<vmem>>, vector<1x16xf32>
    %add3A_98 = vector.broadcast %get3A_97 : vector<1x16xf32> to vector<256x16xf32>
    %add3A_99 = arith.addf %dot_general3A_94, %add3A_98 : vector<256x16xf32>
    %swap3A = arith.constant 0 : index
    %swap3A_100 = arith.constant 0 : index
    %swap3A_101 = vector.load %arg10[%swap3A, %swap3A_100] : memref<256x16xf32, #tpu.memory_space<vmem>>, vector<256x16xf32>
    tpu.vector_store %arg10[%swap3A, %swap3A_100], %add3A_99 {strides = array<i32>} : memref<256x16xf32, #tpu.memory_space<vmem>>, vector<256x16xf32>,
    return
  }
  func.func @transform_0(%arg0: i32) -> (i32, i32) {
    %c0_i32 = arith.constant 0 : i32
    %c0_i32_0 = arith.constant 0 : i32
    return %arg0, %c0_i32 : i32, i32
  }
  func.func @transform_1(%arg0: i32) -> (i32, i32, i32) {
    %c0_i32 = arith.constant 0 : i32
    %c0_i32_0 = arith.constant 0 : i32
    %c0_i32_1 = arith.constant 0 : i32
    return %c0_i32, %arg0, %c0_i32_0 : i32, i32, i32
  }
  func.func @transform_2(%arg0: i32) -> (i32, i32) {
    %c0_i32 = arith.constant 0 : i32
    %c0_i32_0 = arith.constant 0 : i32
    %c0_i32_1 = arith.constant 0 : i32
    return %c0_i32, %c0_i32_0 : i32, i32
  }
  func.func @transform_3(%arg0: i32) -> (i32, i32, i32) {
    %c0_i32 = arith.constant 0 : i32
    %c0_i32_0 = arith.constant 0 : i32
    %c0_i32_1 = arith.constant 0 : i32
    %c0_i32_2 = arith.constant 0 : i32
    return %c0_i32, %c0_i32_0, %c0_i32_1 : i32, i32, i32
  }
  func.func @transform_4(%arg0: i32) -> (i32, i32) {
    %c0_i32 = arith.constant 0 : i32
    %c0_i32_0 = arith.constant 0 : i32
    %c0_i32_1 = arith.constant 0 : i32
    return %c0_i32, %c0_i32_0 : i32, i32
  }
  func.func @transform_5(%arg0: i32) -> (i32, i32) {
    %c0_i32 = arith.constant 0 : i32
    %c0_i32_0 = arith.constant 0 : i32
    %c0_i32_1 = arith.constant 0 : i32
    return %c0_i32, %c0_i32_0 : i32, i32
  }
  func.func @transform_6(%arg0: i32) -> (i32, i32) {
    %c0_i32 = arith.constant 0 : i32
    %c0_i32_0 = arith.constant 0 : i32
    %c0_i32_1 = arith.constant 0 : i32
    return %c0_i32, %c0_i32_0 : i32, i32
  }
  func.func @transform_7(%arg0: i32) -> (i32, i32) {
    %c0_i32 = arith.constant 0 : i32
    %c0_i32_0 = arith.constant 0 : i32
    %c0_i32_1 = arith.constant 0 : i32
    return %c0_i32, %c0_i32_0 : i32, i32
  }
  func.func @transform_8(%arg0: i32) -> (i32, i32) {
    %c0_i32 = arith.constant 0 : i32
    %c0_i32_0 = arith.constant 0 : i32
    %c0_i32_1 = arith.constant 0 : i32
    return %c0_i32, %c0_i32_0 : i32, i32
  }
  func.func @transform_9(%arg0: i32) -> (i32, i32) {
    %c0_i32 = arith.constant 0 : i32
    %c0_i32_0 = arith.constant 0 : i32
    return %arg0, %c0_i32 : i32, i32
  }
}

</mosaic_0001>

<sc_bundles>
// kernel: kernel.4.cloned.1.call-start
scs
__scs_entry_jumppad:
0x0: {  	(pc) =	sbr.rel $0x88, $3  }
0x1: {  	(tag) =	ssettag $0x0;
	lr =	simm.s32 $0x1  }
0x2: {  	[smem:$0x3F95] =	sst lr;
	_ =	strace $0xD0000000  }
0x3: {  	_ = 	snop  }
0x4: {  	_ = 	snop  }
0x5: {  	_ = 	snop  }
0x6: {  	_ = 	snop  }
0x7: {  	_ = 	snop  }
__scs_overlays_trampoline_lowered:
0x8: {  	[smem:$0x3FA4] =	sst s0  }
0x9: {  	[smem:$0x3FA5] =	sst s1  }
0xa: {  	[smem:$0x3FA6] =	sst s2  }
0xb: {  	[smem:$0x3FA7] =	sst s3  }
0xc: {  	[smem:$0x3FA8] =	sst s4  }
0xd: {  	[smem:$0x3FA9] =	sst s5  }
0xe: {  	[smem:$0x3FAA] =	sst s6  }
0xf: {  	[smem:$0x3FAB] =	sst s7  }
0x10: {  	[smem:$0x3FAC] =	sst s8  }
0x11: {  	[smem:$0x3FAD] =	sst s9;
	s0 =	simm.s32 @!p0 $0x0  }
0x12: {  	s1 =	sld [smem:$0x3F93];
	s0 =	simm.s32 @p0 $0x1  }
0x13: {  	[smem:$0x3FAE] =	sst s0;
	s0 =	simm.s32 @!p1 $0x0  }
0x14: {  	s2 =	sld [smem:$0x3F92];
	s0 =	simm.s32 @p1 $0x1  }
0x15: {  	[smem:$0x3FAF] =	sst s0;
	s0 =	simm.s32 @!p2 $0x0  }
0x16: {  	s3 =	sld [smem:$0x3FDB];
	s0 =	simm.s32 @p2 $0x1  }
0x17: {  	s4 =	simm.s32 $0x1BF5;
	[smem:$0x3FB1] =	sst s0  }
0x18: {  	s0 =	sld [smem:$0x3F94];
	_ =	swait.ge [sflag:s4], $0x0  }
0x19: {  	s7 =	sld [smem:$0x3F95]  }
0x1a: {  	s8 =	sadd.s32 $0xFFFFE003, lr  }
0x1b: {  	s9 =	sadd.s32 $0xFFFFFEF7, lr;
	s5 =	simm.s32 $0xFFFFFFFF;
	p2 =	slt.u32 s8, $0xFFFFF086  }
0x1c: {  	p1 =	slt.u32 s9, $0xF7A;
	s5 =	simm.s32 @!p2 $0x0  }
0x1d: {  	s5 =	simm.s32 @p1 $0x1;
	p0 =	seq.s32 s7, s2  }
0x1e: {  	s7 =	smul.u32 @!p0 $0xF7A, s2;
	p2 =	seq.s32 @!p0 s5, $0x0  }
0x1f: {  	s9 =	smul.u32 $0xF7A, s1;
	s8 =	simm.s32 @!p0 $0x1BF5;
	p2 =	por !p2, p0  }
0x20: {  	[sflag:s8] =	ssyncset.s32 @!p0 $0xFFFFF086;
	s6 =	sadd.s32 @!p0 s3, s7;
	s7 =	simm.s32 @!p0 $0x108  }
0x21: {  	s3 =	sadd.s32 s3, s9;
	s6 =	sadd.s32 @!p0 $0x88, s6;
	s7 =	simm.s32 @p2 $0x1082  }
0x22: {  	[simem:s7], [sflag:s8] =	dma.local @!p0 [hbm:s6], $0xF7A  }
0x23: {  	s9 =	sor.u32 $0xD0000000, s2;
	s6 =	simm.s32 $0x108;
	_ =	swait.ge @!p0 [sflag:s8], $0x0  }
0x24: {  	s3 =	sadd.s32 $0x88, s3;
	s6 =	simm.s32 @!p1 $0x1082;
	[sflag:s4] =	ssyncset.s32 $0xFFFFF086  }
0x25: {  	[simem:s6], [sflag:s4] =	dma.local [hbm:s3], $0xF7A  }
0x26: {  	[smem:$0x3F95] =	sst s1;
	(tag) =	ssettag s2;
	_ =	strace s9  }
0x27: {  	s1 =	sld [smem:$0x3FA5]  }
0x28: {  	s2 =	sld [smem:$0x3FA6]  }
0x29: {  	s4 =	sld [smem:$0x3FA8]  }
0x2a: {  	p0 =	seq.s32 s5, $0x0;
	s5 =	sld [smem:$0x3FA9]  }
0x2b: {  	s6 =	sld [smem:$0x3FAA]  }
0x2c: {  	s7 =	sld [smem:$0x3FAB]  }
0x2d: {  	s3 =	simm.s32 $0x108;
	s8 =	sld [smem:$0x3FAC]  }
0x2e: {  	s3 =	simm.s32 @!p0 $0x1082;
	s9 =	sld [smem:$0x3FAD]  }
0x2f: {  	lr =	sadd.s32 s0, s3;
	s0 =	sld [smem:$0x3FA4]  }
0x30: {  	s3 =	sld [smem:$0x3FA7]  }
0x31: {  	[smem:$0x3FB0] =	sst s10  }
0x32: {  	s10 =	sld [smem:$0x3FAE];
	_ =	sdelay $0x3  }
0x33: {  	p0 =	seq.s32 s10, $0x1;
	s10 =	sld [smem:$0x3FB0];
	_ =	sdelay $0x3  }
0x34: {  	[smem:$0x3FB0] =	sst s10  }
0x35: {  	s10 =	sld [smem:$0x3FAF];
	_ =	sdelay $0x3  }
0x36: {  	p1 =	seq.s32 s10, $0x1;
	s10 =	sld [smem:$0x3FB0];
	_ =	sdelay $0x3  }
0x37: {  	[smem:$0x3FB0] =	sst s10  }
0x38: {  	s10 =	sld [smem:$0x3FB1]  }
0x39: {  	_ = 	snop;
	(pc) =	sbr.ind lr, $3  }
0x3a: {  	_ = 	snop  }
0x3b: {  	_ = 	snop  }
0x3c: {  	p2 =	seq.s32 s10, $0x1;
	s10 =	sld [smem:$0x3FB0]  }
0x3d: {  	_ =	shalt  }
0x3e: {  	_ =	shalt  }
0x3f: {  	_ =	shalt  }
0x40: {  	_ =	shalt  }
0x41: {  	_ =	shalt  }
0x42: {  	_ =	shalt  }
0x43: {  	_ =	shalt  }
0x44: {  	_ =	shalt  }
0x45: {  	_ =	shalt  }
0x46: {  	_ =	shalt  }
0x47: {  	_ =	shalt  }
0x48: {  	_ =	shalt  }
0x49: {  	_ =	shalt  }
0x4a: {  	_ =	shalt  }
0x4b: {  	_ =	shalt  }
0x4c: {  	_ =	shalt  }
0x4d: {  	_ =	shalt  }
0x4e: {  	_ =	shalt  }
0x4f: {  	_ =	shalt  }
0x50: {  	_ =	shalt  }
0x51: {  	_ =	shalt  }
0x52: {  	_ =	shalt  }
0x53: {  	_ =	shalt  }
0x54: {  	_ =	shalt  }
0x55: {  	_ =	shalt  }
0x56: {  	_ =	shalt  }
0x57: {  	_ =	shalt  }
0x58: {  	_ =	shalt  }
0x59: {  	_ =	shalt  }
0x5a: {  	_ =	shalt  }
0x5b: {  	_ =	shalt  }
0x5c: {  	_ =	shalt  }
0x5d: {  	_ =	shalt  }
0x5e: {  	_ =	shalt  }
0x5f: {  	_ =	shalt  }
0x60: {  	_ =	shalt  }
0x61: {  	_ =	shalt  }
0x62: {  	_ =	shalt  }
0x63: {  	_ =	shalt  }
0x64: {  	_ =	shalt  }
0x65: {  	_ =	shalt  }
0x66: {  	_ =	shalt  }
0x67: {  	_ =	shalt  }
0x68: {  	_ =	shalt  }
0x69: {  	_ =	shalt  }
0x6a: {  	_ =	shalt  }
0x6b: {  	_ =	shalt  }
0x6c: {  	_ =	shalt  }
0x6d: {  	_ =	shalt  }
0x6e: {  	_ =	shalt  }
0x6f: {  	_ =	shalt  }
0x70: {  	_ =	shalt  }
0x71: {  	_ =	shalt  }
0x72: {  	_ =	shalt  }
0x73: {  	_ =	shalt  }
0x74: {  	_ =	shalt  }
0x75: {  	_ =	shalt  }
0x76: {  	_ =	shalt  }
0x77: {  	_ =	shalt  }
0x78: {  	_ =	shalt  }
0x79: {  	_ =	shalt  }
0x7a: {  	_ =	shalt  }
0x7b: {  	_ =	shalt  }
0x7c: {  	_ =	shalt  }
0x7d: {  	_ =	shalt  }
0x7e: {  	_ =	shalt  }
0x7f: {  	_ =	shalt  }
0x80: {  	_ =	shalt  }
0x81: {  	_ =	shalt  }
0x82: {  	_ =	shalt  }
0x83: {  	_ =	shalt  }
0x84: {  	_ =	shalt  }
0x85: {  	_ =	shalt  }
0x86: {  	_ =	shalt  }
0x87: {  	_ =	shalt  }
.Lfunc_end0:
.L_simem_size_0:
called_computation_lowered:
.L_overlay_start_0:
0x88: {  	s2 =	sld [smem:$0x3FD9]  }
0x89: {  	s3 =	sld [smem:$0x3FFE];
	_ =	sdelay $0x1  }
0x8a: {  	s1 =	srdreg.scid  }
0x8b: {  	s0 =	sand.u32 $0x1, s1  }
0x8c: {  	s17 =	sshll.u32 s0, $0xA;
	s2 =	sadd.s32 s3, s2  }
0x8d: {  	s2 =	sadd.s32 s2, s17  }
0x8e: {  	[smem:$0x3FBC] =	sst s2  }
0x8f: {  	_ = 	snop  }
0x90: {  	s2 =	sld [smem:$0x3FD0];
	(tm) =	ssettm $0x1  }
0x91: {  	s18 =	sld [smem:$0x3FFB];
	_ =	sdelay $0x3  }
0x92: {  	_ =	strace s18  }
0x93: {  	s3 =	sld [smem:$0x3FFC];
	_ =	sdelay $0x3  }
0x94: {  	_ =	strace s3  }
0x95: {  	s3 =	sld [smem:$0x3FFD];
	_ =	sdelay $0x3  }
0x96: {  	_ =	strace s3  }
0x97: {  	_ =	strace $0x8FFFFFFF  }
0x98: {  	s19 =	sld [smem:$0x3FDB];
	_ =	sdelay $0x1  }
0x99: {  	s4 =	simm.s32 $_scs_section_size  }
0x9a: {  	s5 =	simm.s32 $_size__tile_overlayer_lowered;
	s6 =	simm.s32 $_tile_overlayer_lowered  }
0x9b: {  	s22 =	simm.s32 $0x1BFF;
	s21 =	sshll.u32 s6, $0x1;
	s3 =	sadd.s32 s4, s19  }
0x9c: {  	s7 =	simm.s32 $0x0;
	s20 =	sshll.u32 s5, $0x1;
	s5 =	sadd.s32 s21, s3  }
0x9d: {  	[timem:s7], [sflag:s22] =	dma.local [hbm:s5], s20  }
0x9e: {  	_ =	swait.ge [sflag:s22], s20  }
0x9f: {  	s4 =	ssub.s32 $0x0, s20;
	[sflag:s22] =	ssyncset.done $0x0  }
0xa0: {  	[sflag:s22] =	ssyncadd.s32 s4;
	_ =	sdelay $0x1  }
0xa1: {  	s23 =	simm.s32 $0x1B8B  }
0xa2: {  	_ =	swait.ge [sflag:s23], $0x1  }
0xa3: {  	[sflag:s23] =	ssyncset.done $0x0  }
0xa4: {  	s25 =	simm.s32 $0x1B8E;
	s24 =	sld [smem:$0x3FFE];
	[sflag:s23] =	ssyncadd.s32 $0xFFFFFFFF  }
0xa5: {  	s26 =	simm.s32 $execute0_lowered;
	[smem:$0x3FD2] =	sst s25  }
0xa6: {  	s5 =	sshll.u32 s26, $0x1;
	_ =	strace $0x80000046;
	[dreg:$0x1] =	wrdreg $0xFFFFFFFF  }
0xa7: {  	s28 =	simm.s32 $_size_execute0_lowered;
	s3 =	sadd.s32 s3, s5;
	[dreg:$0x0] =	wrdreg $0x0  }
0xa8: {  	s5 =	sshll.u32 s28, $0x1;
	[dreg:$0x2] =	wrdreg s3  }
0xa9: {  	[dreg:$0x3] =	wrdreg s5  }
0xaa: {  	[dreg:$0x4] =	wrdreg $0xC0  }
0xab: {  	_ =	task [dreg:s7], $0x5FFFF  }
0xac: {  	[dreg:$0x1] =	wrdreg $0xFFFFFFFF  }
0xad: {  	[dreg:$0x0] =	wrdreg $0x60  }
0xae: {  	[dreg:$0x2] =	wrdreg s24  }
0xaf: {  	[dreg:$0x3] =	wrdreg s2  }
0xb0: {  	[dreg:$0x4] =	wrdreg $0x9  }
0xb1: {  	_ =	task.clear_ibuf [dreg:s7], $0x5FFFF;
	_ =	strace $0x90000046  }
0xb2: {  	s29 =	simm.s32 $0x9;
	_ =	strace $0x80000048  }
0xb3: {  	_ =	swait.ge [sflag:s29], $0x1  }
0xb4: {  	[sflag:s29] =	ssyncadd.s32 $0xFFFFFFFF  }
0xb5: {  	_ =	strace $0x90000048  }
0xb6: {  	_ =	sfence  }
0xb7: {  	s30 =	sld [smem:$0x0];
	_ =	sdelay $0x2  }
0xb8: {  	s31 =	sshll.u32 s1, $0xD;
	s1 =	sshrl.u32 s1, $0x2  }
0xb9: {  	s3 =	sand.u32 $0x4000, s31;
	s1 =	sadd.s32 s1, s30  }
0xba: {  	s0 =	sor.u32 s3, s0;
	s1 =	sshll.u32 s1, $0x11  }
0xbb: {  	s0 =	sor.u32 s1, s0  }
0xbc: {  	s0 =	sadd.s32 $0x8F2B, s0  }
0xbd: {  	[sflag:s0] =	ssyncadd.remote.s32 $0x1  }
0xbe: {  	_ =	sfence.sel $0xFFFF  }
0xbf: {  	[dreg:$0x0] =	wrdreg $0xFFFFFFFF;
	(pc) =	sbr.abs _section_cstart, $3  }
0xc0: {  	[dreg:$0x1] =	wrdreg $0xFFFFFFFF  }
0xc1: {  	_ =	task.clear_ibuf [dreg:s7], $0x2FFFF;
	_ =	strace $0x9FFFFFFF  }
0xc2: {  	(tm) =	ssettm $0x7FFFFFFF  }
0xc3: {  	_ =	shalt  }
tec
execute0_lowered:
.L_overlay_start_1:
0x0: {  	(tag) =	ssettag $0x1  }
0x1: {  	s1 =	srdreg.scid  }
0x2: {  	s0 =	stileid.u32;
	s1 =	sand.u32 $0x1, s1  }
0x3: {  	s13 =	rddreg [dreg:$0x0];
	s2 =	sshll.u32 s0, $0xA;
	s4 =	sshll.u32 s1, $0x9  }
0x4: {  	s3 =	rddreg [dreg:$0x1];
	s4 =	sor.u32 s4, s2;
	s2 =	simm.s32 $0x0  }
0x5: {  	s6 =	simm.s32 $0x4000;
	[smem:$0x7FF] =	sst s2  }
0x6: {  	s7 =	simm.s32 $0x1200;
	_ =	strace $0x80000047;
	[dreg:$0x9] =	wrdreg s6  }
0x7: {  	s8 =	simm.s32 $0x100;
	[dreg:$0xa] =	wrdreg s7  }
0x8: {  	s9 =	simm.s32 $0x1A00;
	[dreg:$0xb] =	wrdreg s8  }
0x9: {  	s10 =	simm.s32 $0x180;
	[dreg:$0xc] =	wrdreg s9  }
0xa: {  	s11 =	simm.s32 $0x2200;
	[dreg:$0xd] =	wrdreg s10  }
0xb: {  	s12 =	simm.s32 $0x280;
	[dreg:$0xe] =	wrdreg s11  }
0xc: {  	s14 =	simm.s32 $0x3200;
	[dreg:$0xf] =	wrdreg s12  }
0xd: {  	s15 =	simm.s32 $0x300;
	[dreg:$0x10] =	wrdreg s14  }
0xe: {  	s16 =	simm.s32 $0x3A00;
	[dreg:$0x11] =	wrdreg s15  }
0xf: {  	s17 =	simm.s32 $0x380;
	[dreg:$0x12] =	wrdreg s16  }
0x10: {  	s18 =	simm.s32 $0x4200;
	[dreg:$0x13] =	wrdreg s17  }
0x11: {  	s19 =	simm.s32 $0x400;
	[dreg:$0x14] =	wrdreg s18  }
0x12: {  	s20 =	simm.s32 $0x480;
	[dreg:$0x15] =	wrdreg s19  }
0x13: {  	s21 =	simm.s32 $0x5200;
	[dreg:$0x16] =	wrdreg s20  }
0x14: {  	s22 =	simm.s32 $0x500;
	[dreg:$0x17] =	wrdreg s21  }
0x15: {  	s23 =	simm.s32 $0x5A00;
	[dreg:$0x18] =	wrdreg s22  }
0x16: {  	s5 =	sshrl.u32 s4, $0x3;
	s4 =	sshll.u32 s4, $0x1;
	[dreg:$0x19] =	wrdreg s23  }
0x17: {  	s5 =	sadd.s32 s5, s13;
	s8 =	simm.s32 $0x6200;
	s7 =	rddreg [dreg:$0x9]  }
0x18: {  	s4 =	sadd.s32 s4, s13;
	s5 =	sadd.s32 $0x142000, s5;
	[dreg:$0x1b] =	wrdreg s8  }
0x19: {  	s24 =	sadd.s32 $0x144800, s4;
	[dreg:$0x3] =	wrdreg s5  }
0x1a: {  	s25 =	sadd.s32 $0x14C800, s4;
	[dreg:$0x4] =	wrdreg s24  }
0x1b: {  	s26 =	sadd.s32 $0x154800, s4;
	[dreg:$0x5] =	wrdreg s25  }
0x1c: {  	s0 =	sadd.s32 $0x15C800, s4;
	[dreg:$0x6] =	wrdreg s26  }
0x1d: {  	s4 =	sadd.s32 $0x164800, s4;
	[dreg:$0x7] =	wrdreg s0  }
0x1e: {  	[dreg:$0x8] =	wrdreg s4  }
0x1f: {  	s24 =	simm.s32 $0x580;
	s6 =	rddreg [dreg:$0x3]  }
0x20: {  	s5 =	simm.s32 $0x200;
	s4 =	simm.s32 $0x2;
	[dreg:$0x1a] =	wrdreg s24  }
0x21: {  	[tilespmem:s2], [sflag:$0x2] =	stream.strided.gather [hbm4b:s6+s5], $0xA00, s7, s5, $0x38;
	[tilespmem:$0xAA00] =	vst v63  }
0x22: {  	_ =	swait.ge [sflag:s4], $0xA00  }
0x23: {  	s14 =	rddreg [dreg:$0x1b]  }
0x24: {  	s15 =	rddreg [dreg:$0x19]  }
0x25: {  	s16 =	rddreg [dreg:$0x17]  }
0x26: {  	s11 =	rddreg [dreg:$0x14]  }
0x27: {  	s8 =	simm.s32 $0xA00;
	s12 =	rddreg [dreg:$0x10]  }
0x28: {  	s6 =	sadd.s32 $0x188A00, s13;
	s9 =	rddreg [dreg:$0xb];
	[sflag:s4] =	ssyncset.done $0x0  }
0x29: {  	s7 =	simm.s32 $0x80;
	s10 =	rddreg [dreg:$0xc];
	[sflag:s4] =	ssyncadd.s32 $0xFFFFF600  }
0x2a: {  	[tilespmem:s8], [sflag:$0x1] =	stream.indirect.gather [hbm4b:s6+s7], $0x10, s2, s7, $0xb8;
	[tilespmem:$0xAA00] =	vst v63  }
0x2b: {  	s17 =	rddreg [dreg:$0xa]  }
0x2c: {  	[tilespmem:s17], [sflag:$0x1] =	stream.indirect.gather [hbm4b:s6+s7], $0x10, s7, s7, $0xb8;
	[tilespmem:$0xAA00] =	vst v63  }
0x2d: {  	s18 =	rddreg [dreg:$0xe]  }
0x2e: {  	[tilespmem:s10], [sflag:$0x1] =	stream.indirect.gather [hbm4b:s6+s7], $0x10, s9, s7, $0xb8;
	[tilespmem:$0xAA00] =	vst v63  }
0x2f: {  	s25 =	rddreg [dreg:$0xd]  }
0x30: {  	[tilespmem:s18], [sflag:$0x1] =	stream.indirect.gather [hbm4b:s6+s7], $0x10, s25, s7, $0xb8;
	[tilespmem:$0xAA00] =	vst v63  }
0x31: {  	s19 =	rddreg [dreg:$0x12];
	s9 =	sadd.s32 $0x1B9800, s13;
	s10 =	simm.s32 $0x2A00  }
0x32: {  	[tilespmem:s10], [sflag:$0x1] =	stream.indirect.gather [hbm4b:s9+s7], $0x10, s5, s7, $0xb8;
	[tilespmem:$0xAA00] =	vst v63  }
0x33: {  	s26 =	rddreg [dreg:$0xf]  }
0x34: {  	[tilespmem:s12], [sflag:$0x1] =	stream.indirect.gather [hbm4b:s9+s7], $0x10, s26, s7, $0xb8;
	[tilespmem:$0xAA00] =	vst v63  }
0x35: {  	s0 =	rddreg [dreg:$0x11]  }
0x36: {  	[tilespmem:s19], [sflag:$0x1] =	stream.indirect.gather [hbm4b:s9+s7], $0x10, s0, s7, $0xb8;
	[tilespmem:$0xAA00] =	vst v63  }
0x37: {  	s17 =	rddreg [dreg:$0x13]  }
0x38: {  	[tilespmem:s11], [sflag:$0x1] =	stream.indirect.gather [hbm4b:s9+s7], $0x10, s17, s7, $0xb8;
	[tilespmem:$0xAA00] =	vst v63  }
0x39: {  	s18 =	rddreg [dreg:$0x15];
	s12 =	simm.s32 $0x4A00;
	s11 =	sadd.s32 $0x102000, s13  }
0x3a: {  	[tilespmem:s12], [sflag:$0x1] =	stream.indirect.gather [hbm4b:s11+s7], $0x10, s18, s7, $0xb8;
	[tilespmem:$0xAA00] =	vst v63  }
0x3b: {  	s19 =	rddreg [dreg:$0x16]  }
0x3c: {  	[tilespmem:s16], [sflag:$0x1] =	stream.indirect.gather [hbm4b:s11+s7], $0x10, s19, s7, $0xb8;
	[tilespmem:$0xAA00] =	vst v63  }
0x3d: {  	s20 =	rddreg [dreg:$0x18]  }
0x3e: {  	[tilespmem:s15], [sflag:$0x1] =	stream.indirect.gather [hbm4b:s11+s7], $0x10, s20, s7, $0xb8;
	[tilespmem:$0xAA00] =	vst v63  }
0x3f: {  	s21 =	rddreg [dreg:$0x1a]  }
0x40: {  	[tilespmem:s14], [sflag:$0x1] =	stream.indirect.gather [hbm4b:s11+s7], $0x10, s21, s7, $0xb8;
	[tilespmem:$0xAA00] =	vst v63  }
0x41: {  	s22 =	simm.s32 $0x600;
	s13 =	sadd.s32 $0x122000, s13;
	s15 =	simm.s32 $0x6A00  }
0x42: {  	[tilespmem:s15], [sflag:$0x1] =	stream.indirect.gather [hbm4b:s13+s7], $0x10, s22, s7, $0xb8;
	[tilespmem:$0xAA00] =	vst v63  }
0x43: {  	s23 =	simm.s32 $0x680;
	s24 =	simm.s32 $0x7200  }
0x44: {  	[tilespmem:s24], [sflag:$0x1] =	stream.indirect.gather [hbm4b:s13+s7], $0x10, s23, s7, $0xb8;
	[tilespmem:$0xAA00] =	vst v63  }
0x45: {  	s25 =	simm.s32 $0x700;
	s26 =	simm.s32 $0x7A00  }
0x46: {  	[tilespmem:s26], [sflag:$0x1] =	stream.indirect.gather [hbm4b:s13+s7], $0x10, s25, s7, $0xb8;
	[tilespmem:$0xAA00] =	vst v63  }
0x47: {  	s16 =	simm.s32 $0x8200;
	s14 =	simm.s32 $0x780  }
0x48: {  	[tilespmem:s16], [sflag:$0x1] =	stream.indirect.gather [hbm4b:s13+s7], $0x10, s14, s7, $0xb8;
	[tilespmem:$0xAA00] =	vst v63  }
0x49: {  	s17 =	simm.s32 $0x800;
	s20 =	simm.s32 $0x8A00  }
0x4a: {  	[tilespmem:s20], [sflag:$0x1] =	stream.indirect.gather [hbm4b:s3+s7], $0x10, s17, s7, $0xb8;
	[tilespmem:$0xAA00] =	vst v63  }
0x4b: {  	s24 =	simm.s32 $0x880;
	s25 =	simm.s32 $0x9200  }
0x4c: {  	[tilespmem:s25], [sflag:$0x1] =	stream.indirect.gather [hbm4b:s3+s7], $0x10, s24, s7, $0xb8;
	[tilespmem:$0xAA00] =	vst v63  }
0x4d: {  	s28 =	simm.s32 $0x9A00;
	s26 =	simm.s32 $0x900  }
0x4e: {  	[tilespmem:s28], [sflag:$0x1] =	stream.indirect.gather [hbm4b:s3+s7], $0x10, s26, s7, $0xb8;
	[tilespmem:$0xAA00] =	vst v63  }
0x4f: {  	s29 =	simm.s32 $0x980;
	s30 =	simm.s32 $0xA200;
	s31 =	simm.s32 $0x1  }
0x50: {  	[tilespmem:s30], [sflag:$0x1] =	stream.indirect.gather [hbm4b:s3+s7], $0x10, s29, s7, $0xb8;
	[tilespmem:$0xAA00] =	vst v63  }
0x51: {  	_ =	swait.ge [sflag:s31], $0x800  }
0x52: {  	[sflag:s31] =	ssyncset.done $0x0  }
0x53: {  	[sflag:s31] =	ssyncadd.s32 $0xFFFFF800  }
0x54: {  	_ =	swait.ge [sflag:s31], $0x800  }
0x55: {  	[sflag:s31] =	ssyncset.done $0x0  }
0x56: {  	[sflag:s31] =	ssyncadd.s32 $0xFFFFF800  }
0x57: {  	_ =	swait.ge [sflag:s31], $0x800  }
0x58: {  	[sflag:s31] =	ssyncset.done $0x0  }
0x59: {  	[sflag:s31] =	ssyncadd.s32 $0xFFFFF800  }
0x5a: {  	_ =	swait.ge [sflag:s31], $0x800  }
0x5b: {  	[sflag:s31] =	ssyncset.done $0x0  }
0x5c: {  	[sflag:s31] =	ssyncadd.s32 $0xFFFFF800  }
0x5d: {  	_ =	swait.ge [sflag:s31], $0x800  }
0x5e: {  	[sflag:s31] =	ssyncset.done $0x0  }
0x5f: {  	[sflag:s31] =	ssyncadd.s32 $0xFFFFF800  }
0x60: {  	_ =	swait.ge [sflag:s31], $0x800  }
0x61: {  	[sflag:s31] =	ssyncset.done $0x0  }
0x62: {  	[sflag:s31] =	ssyncadd.s32 $0xFFFFF800  }
0x63: {  	_ =	swait.ge [sflag:s31], $0x800  }
0x64: {  	[sflag:s31] =	ssyncset.done $0x0  }
0x65: {  	[sflag:s31] =	ssyncadd.s32 $0xFFFFF800  }
0x66: {  	_ =	swait.ge [sflag:s31], $0x800  }
0x67: {  	[sflag:s31] =	ssyncset.done $0x0  }
0x68: {  	[sflag:s31] =	ssyncadd.s32 $0xFFFFF800  }
0x69: {  	_ =	swait.ge [sflag:s31], $0x800  }
0x6a: {  	[sflag:s31] =	ssyncset.done $0x0  }
0x6b: {  	[sflag:s31] =	ssyncadd.s32 $0xFFFFF800  }
0x6c: {  	_ =	swait.ge [sflag:s31], $0x800  }
0x6d: {  	[sflag:s31] =	ssyncset.done $0x0  }
0x6e: {  	[sflag:s31] =	ssyncadd.s32 $0xFFFFF800  }
0x6f: {  	_ =	swait.ge [sflag:s31], $0x800  }
0x70: {  	[sflag:s31] =	ssyncset.done $0x0  }
0x71: {  	[sflag:s31] =	ssyncadd.s32 $0xFFFFF800  }
0x72: {  	_ =	swait.ge [sflag:s31], $0x800  }
0x73: {  	[sflag:s31] =	ssyncset.done $0x0  }
0x74: {  	[sflag:s31] =	ssyncadd.s32 $0xFFFFF800  }
0x75: {  	_ =	swait.ge [sflag:s31], $0x800  }
0x76: {  	[sflag:s31] =	ssyncset.done $0x0  }
0x77: {  	[sflag:s31] =	ssyncadd.s32 $0xFFFFF800  }
0x78: {  	_ =	swait.ge [sflag:s31], $0x800  }
0x79: {  	[sflag:s31] =	ssyncset.done $0x0  }
0x7a: {  	[sflag:s31] =	ssyncadd.s32 $0xFFFFF800  }
0x7b: {  	_ =	swait.ge [sflag:s31], $0x800  }
0x7c: {  	[sflag:s31] =	ssyncset.done $0x0  }
0x7d: {  	[sflag:s31] =	ssyncadd.s32 $0xFFFFF800  }
0x7e: {  	_ =	swait.ge [sflag:s31], $0x800  }
0x7f: {  	[sflag:s31] =	ssyncset.done $0x0  }
0x80: {  	[sflag:s31] =	ssyncadd.s32 $0xFFFFF800  }
0x81: {  	_ =	swait.ge [sflag:s31], $0x800  }
0x82: {  	[sflag:s31] =	ssyncset.done $0x0  }
0x83: {  	[sflag:s31] =	ssyncadd.s32 $0xFFFFF800  }
0x84: {  	_ =	swait.ge [sflag:s31], $0x800  }
0x85: {  	[sflag:s31] =	ssyncset.done $0x0  }
0x86: {  	[sflag:s31] =	ssyncadd.s32 $0xFFFFF800  }
0x87: {  	_ =	swait.ge [sflag:s31], $0x800  }
0x88: {  	[sflag:s31] =	ssyncset.done $0x0  }
0x89: {  	[sflag:s31] =	ssyncadd.s32 $0xFFFFF800  }
0x8a: {  	_ =	swait.ge [sflag:s31], $0x800  }
0x8b: {  	[sflag:s31] =	ssyncset.done $0x0  }
0x8c: {  	s18 =	rddreg [dreg:$0x4];
	[sflag:s31] =	ssyncadd.s32 $0xFFFFF800  }
0x8d: {  	[hbm4b:s18+s2] =	stream.linear.scatter [tilespmem:s8], [sflag:$0x2], $0x2000, $0x38;
	[tilespmem:$0xAA00] =	vst v63  }
0x8e: {  	_ =	swait.ge [sflag:s4], $0x2000  }
0x8f: {  	s22 =	ssub.s32 $0x2, s1;
	[sflag:s4] =	ssyncset.done $0x0  }
0x90: {  	s1 =	sshrl.u32 s22, $0x1;
	s19 =	rddreg [dreg:$0x5];
	[sflag:s4] =	ssyncadd.s32 $0xFFFFE000  }
0x91: {  	[hbm4b:s19+s2] =	stream.linear.scatter [tilespmem:s10], [sflag:$0x2], $0x2000, $0x38;
	[tilespmem:$0xAA00] =	vst v63  }
0x92: {  	s0 =	ssub.s32 s22, s1;
	_ =	swait.ge [sflag:s4], $0x2000  }
0x93: {  	s0 =	smax.u32 s0, $0x1;
	[sflag:s4] =	ssyncset.done $0x0  }
0x94: {  	p0 =	sne.s32 s0, $0x1;
	s21 =	rddreg [dreg:$0x6];
	[sflag:s4] =	ssyncadd.s32 $0xFFFFE000  }
0x95: {  	[hbm4b:s21+s2] =	stream.linear.scatter [tilespmem:s12], [sflag:$0x2], $0x2000, $0x38;
	[tilespmem:$0xAA00] =	vst v63  }
.Ltmp0:
0x96: {  	_ =	swait.ge [sflag:s4], $0x2000;
	(pc) =	sbr.rel @!p0 .LBB2_2-.Ltmp0, $4  }
0x97: {  	[sflag:s4] =	ssyncset.done $0x0  }
0x98: {  	s23 =	rddreg [dreg:$0x7];
	[sflag:s4] =	ssyncadd.s32 $0xFFFFE000  }
0x99: {  	[hbm4b:s23+s2] =	stream.linear.scatter [tilespmem:s15], [sflag:$0x2], $0x2000, $0x38;
	[tilespmem:$0xAA00] =	vst v63  }
0x9a: {  	s1 =	sadd.s32 $0xFFFFFFFF, s0;
	_ =	swait.ge [sflag:s4], $0x2000  }
.LBB2_1:
0x9b: {  	[sflag:s4] =	ssyncset.done $0x0  }
0x9c: {  	s0 =	rddreg [dreg:$0x8];
	[sflag:s4] =	ssyncadd.s32 $0xFFFFE000  }
0x9d: {  	[hbm4b:s0+s2] =	stream.linear.scatter [tilespmem:s20], [sflag:$0x2], $0x2000, $0x38;
	[tilespmem:$0xAA00] =	vst v63  }
0x9e: {  	_ =	swait.ge [sflag:s4], $0x2000  }
0x9f: {  	s22 =	rddreg [dreg:$0x3];
	[sflag:s4] =	ssyncset.done $0x0  }
0xa0: {  	s14 =	rddreg [dreg:$0x9];
	[sflag:s4] =	ssyncadd.s32 $0xFFFFE000  }
0xa1: {  	[tilespmem:s2], [sflag:$0x2] =	stream.strided.gather [hbm4b:s22+s5], $0xA00, s14, s5, $0x38;
	[tilespmem:$0xAA00] =	vst v63  }
0xa2: {  	_ =	swait.ge [sflag:s4], $0xA00  }
0xa3: {  	s0 =	rddreg [dreg:$0x1b]  }
0xa4: {  	s14 =	rddreg [dreg:$0x19]  }
0xa5: {  	s16 =	rddreg [dreg:$0x17]  }
0xa6: {  	s17 =	rddreg [dreg:$0x14]  }
0xa7: {  	s18 =	rddreg [dreg:$0x10]  }
0xa8: {  	[sflag:s4] =	ssyncset.done $0x0;
	s19 =	rddreg [dreg:$0xb]  }
0xa9: {  	s21 =	rddreg [dreg:$0xc];
	[sflag:s4] =	ssyncadd.s32 $0xFFFFF600  }
0xaa: {  	[tilespmem:s8], [sflag:$0x1] =	stream.indirect.gather [hbm4b:s6+s7], $0x10, s2, s7, $0xb8;
	[tilespmem:$0xAA00] =	vst v63  }
0xab: {  	s22 =	rddreg [dreg:$0xa]  }
0xac: {  	[tilespmem:s22], [sflag:$0x1] =	stream.indirect.gather [hbm4b:s6+s7], $0x10, s7, s7, $0xb8;
	[tilespmem:$0xAA00] =	vst v63  }
0xad: {  	s23 =	rddreg [dreg:$0xe]  }
0xae: {  	[tilespmem:s21], [sflag:$0x1] =	stream.indirect.gather [hbm4b:s6+s7], $0x10, s19, s7, $0xb8;
	[tilespmem:$0xAA00] =	vst v63  }
0xaf: {  	s22 =	rddreg [dreg:$0xd]  }
0xb0: {  	[tilespmem:s23], [sflag:$0x1] =	stream.indirect.gather [hbm4b:s6+s7], $0x10, s22, s7, $0xb8;
	[tilespmem:$0xAA00] =	vst v63  }
0xb1: {  	s19 =	rddreg [dreg:$0x12]  }
0xb2: {  	[tilespmem:s10], [sflag:$0x1] =	stream.indirect.gather [hbm4b:s9+s7], $0x10, s5, s7, $0xb8;
	[tilespmem:$0xAA00] =	vst v63  }
0xb3: {  	s23 =	rddreg [dreg:$0xf]  }
0xb4: {  	[tilespmem:s18], [sflag:$0x1] =	stream.indirect.gather [hbm4b:s9+s7], $0x10, s23, s7, $0xb8;
	[tilespmem:$0xAA00] =	vst v63  }
0xb5: {  	s22 =	rddreg [dreg:$0x11]  }
0xb6: {  	[tilespmem:s19], [sflag:$0x1] =	stream.indirect.gather [hbm4b:s9+s7], $0x10, s22, s7, $0xb8;
	[tilespmem:$0xAA00] =	vst v63  }
0xb7: {  	s23 =	rddreg [dreg:$0x13]  }
0xb8: {  	[tilespmem:s17], [sflag:$0x1] =	stream.indirect.gather [hbm4b:s9+s7], $0x10, s23, s7, $0xb8;
	[tilespmem:$0xAA00] =	vst v63  }
0xb9: {  	s21 =	rddreg [dreg:$0x15]  }
0xba: {  	[tilespmem:s12], [sflag:$0x1] =	stream.indirect.gather [hbm4b:s11+s7], $0x10, s21, s7, $0xb8;
	[tilespmem:$0xAA00] =	vst v63  }
0xbb: {  	s22 =	rddreg [dreg:$0x16]  }
0xbc: {  	[tilespmem:s16], [sflag:$0x1] =	stream.indirect.gather [hbm4b:s11+s7], $0x10, s22, s7, $0xb8;
	[tilespmem:$0xAA00] =	vst v63  }
0xbd: {  	s23 =	rddreg [dreg:$0x18]  }
0xbe: {  	[tilespmem:s14], [sflag:$0x1] =	stream.indirect.gather [hbm4b:s11+s7], $0x10, s23, s7, $0xb8;
	[tilespmem:$0xAA00] =	vst v63  }
0xbf: {  	s17 =	rddreg [dreg:$0x1a]  }
0xc0: {  	[tilespmem:s0], [sflag:$0x1] =	stream.indirect.gather [hbm4b:s11+s7], $0x10, s17, s7, $0xb8;
	[tilespmem:$0xAA00] =	vst v63  }
0xc1: {  	s18 =	simm.s32 $0x600  }
0xc2: {  	[tilespmem:s15], [sflag:$0x1] =	stream.indirect.gather [hbm4b:s13+s7], $0x10, s18, s7, $0xb8;
	[tilespmem:$0xAA00] =	vst v63  }
0xc3: {  	s19 =	simm.s32 $0x680;
	s21 =	simm.s32 $0x7200  }
0xc4: {  	[tilespmem:s21], [sflag:$0x1] =	stream.indirect.gather [hbm4b:s13+s7], $0x10, s19, s7, $0xb8;
	[tilespmem:$0xAA00] =	vst v63  }
0xc5: {  	s22 =	simm.s32 $0x700;
	s23 =	simm.s32 $0x7A00  }
0xc6: {  	[tilespmem:s23], [sflag:$0x1] =	stream.indirect.gather [hbm4b:s13+s7], $0x10, s22, s7, $0xb8;
	[tilespmem:$0xAA00] =	vst v63  }
0xc7: {  	s16 =	simm.s32 $0x780;
	s17 =	simm.s32 $0x8200  }
0xc8: {  	[tilespmem:s17], [sflag:$0x1] =	stream.indirect.gather [hbm4b:s13+s7], $0x10, s16, s7, $0xb8;
	[tilespmem:$0xAA00] =	vst v63  }
0xc9: {  	s18 =	simm.s32 $0x800  }
0xca: {  	[tilespmem:s20], [sflag:$0x1] =	stream.indirect.gather [hbm4b:s3+s7], $0x10, s18, s7, $0xb8;
	[tilespmem:$0xAA00] =	vst v63  }
0xcb: {  	_ = 	snop  }
0xcc: {  	[tilespmem:s25], [sflag:$0x1] =	stream.indirect.gather [hbm4b:s3+s7], $0x10, s24, s7, $0xb8;
	[tilespmem:$0xAA00] =	vst v63  }
0xcd: {  	_ = 	snop  }
0xce: {  	[tilespmem:s28], [sflag:$0x1] =	stream.indirect.gather [hbm4b:s3+s7], $0x10, s26, s7, $0xb8;
	[tilespmem:$0xAA00] =	vst v63  }
0xcf: {  	_ = 	snop  }
0xd0: {  	[tilespmem:s30], [sflag:$0x1] =	stream.indirect.gather [hbm4b:s3+s7], $0x10, s29, s7, $0xb8;
	[tilespmem:$0xAA00] =	vst v63  }
0xd1: {  	_ =	swait.ge [sflag:s31], $0x800  }
0xd2: {  	[sflag:s31] =	ssyncset.done $0x0  }
0xd3: {  	[sflag:s31] =	ssyncadd.s32 $0xFFFFF800  }
0xd4: {  	_ =	swait.ge [sflag:s31], $0x800  }
0xd5: {  	[sflag:s31] =	ssyncset.done $0x0  }
0xd6: {  	[sflag:s31] =	ssyncadd.s32 $0xFFFFF800  }
0xd7: {  	_ =	swait.ge [sflag:s31], $0x800  }
0xd8: {  	[sflag:s31] =	ssyncset.done $0x0  }
0xd9: {  	[sflag:s31] =	ssyncadd.s32 $0xFFFFF800  }
0xda: {  	_ =	swait.ge [sflag:s31], $0x800  }
0xdb: {  	[sflag:s31] =	ssyncset.done $0x0  }
0xdc: {  	[sflag:s31] =	ssyncadd.s32 $0xFFFFF800  }
0xdd: {  	_ =	swait.ge [sflag:s31], $0x800  }
0xde: {  	[sflag:s31] =	ssyncset.done $0x0  }
0xdf: {  	[sflag:s31] =	ssyncadd.s32 $0xFFFFF800  }
0xe0: {  	_ =	swait.ge [sflag:s31], $0x800  }
0xe1: {  	[sflag:s31] =	ssyncset.done $0x0  }
0xe2: {  	[sflag:s31] =	ssyncadd.s32 $0xFFFFF800  }
0xe3: {  	_ =	swait.ge [sflag:s31], $0x800  }
0xe4: {  	[sflag:s31] =	ssyncset.done $0x0  }
0xe5: {  	[sflag:s31] =	ssyncadd.s32 $0xFFFFF800  }
0xe6: {  	_ =	swait.ge [sflag:s31], $0x800  }
0xe7: {  	[sflag:s31] =	ssyncset.done $0x0  }
0xe8: {  	[sflag:s31] =	ssyncadd.s32 $0xFFFFF800  }
0xe9: {  	_ =	swait.ge [sflag:s31], $0x800  }
0xea: {  	[sflag:s31] =	ssyncset.done $0x0  }
0xeb: {  	[sflag:s31] =	ssyncadd.s32 $0xFFFFF800  }
0xec: {  	_ =	swait.ge [sflag:s31], $0x800  }
0xed: {  	[sflag:s31] =	ssyncset.done $0x0  }
0xee: {  	[sflag:s31] =	ssyncadd.s32 $0xFFFFF800  }
0xef: {  	_ =	swait.ge [sflag:s31], $0x800  }
0xf0: {  	[sflag:s31] =	ssyncset.done $0x0  }
0xf1: {  	[sflag:s31] =	ssyncadd.s32 $0xFFFFF800  }
0xf2: {  	_ =	swait.ge [sflag:s31], $0x800  }
0xf3: {  	[sflag:s31] =	ssyncset.done $0x0  }
0xf4: {  	[sflag:s31] =	ssyncadd.s32 $0xFFFFF800  }
0xf5: {  	_ =	swait.ge [sflag:s31], $0x800  }
0xf6: {  	[sflag:s31] =	ssyncset.done $0x0  }
0xf7: {  	[sflag:s31] =	ssyncadd.s32 $0xFFFFF800  }
0xf8: {  	_ =	swait.ge [sflag:s31], $0x800  }
0xf9: {  	[sflag:s31] =	ssyncset.done $0x0  }
0xfa: {  	[sflag:s31] =	ssyncadd.s32 $0xFFFFF800  }
0xfb: {  	_ =	swait.ge [sflag:s31], $0x800  }
0xfc: {  	[sflag:s31] =	ssyncset.done $0x0  }
0xfd: {  	[sflag:s31] =	ssyncadd.s32 $0xFFFFF800  }
0xfe: {  	_ =	swait.ge [sflag:s31], $0x800  }
0xff: {  	[sflag:s31] =	ssyncset.done $0x0  }
0x100: {  	[sflag:s31] =	ssyncadd.s32 $0xFFFFF800  }
0x101: {  	_ =	swait.ge [sflag:s31], $0x800  }
0x102: {  	[sflag:s31] =	ssyncset.done $0x0  }
0x103: {  	[sflag:s31] =	ssyncadd.s32 $0xFFFFF800  }
0x104: {  	_ =	swait.ge [sflag:s31], $0x800  }
0x105: {  	[sflag:s31] =	ssyncset.done $0x0  }
0x106: {  	[sflag:s31] =	ssyncadd.s32 $0xFFFFF800  }
0x107: {  	_ =	swait.ge [sflag:s31], $0x800  }
0x108: {  	[sflag:s31] =	ssyncset.done $0x0  }
0x109: {  	[sflag:s31] =	ssyncadd.s32 $0xFFFFF800  }
0x10a: {  	_ =	swait.ge [sflag:s31], $0x800  }
0x10b: {  	[sflag:s31] =	ssyncset.done $0x0  }
0x10c: {  	s19 =	rddreg [dreg:$0x4];
	[sflag:s31] =	ssyncadd.s32 $0xFFFFF800  }
0x10d: {  	[hbm4b:s19+s2] =	stream.linear.scatter [tilespmem:s8], [sflag:$0x2], $0x2000, $0x38;
	[tilespmem:$0xAA00] =	vst v63  }
0x10e: {  	_ =	swait.ge [sflag:s4], $0x2000  }
0x10f: {  	[sflag:s4] =	ssyncset.done $0x0  }
0x110: {  	s21 =	rddreg [dreg:$0x5];
	[sflag:s4] =	ssyncadd.s32 $0xFFFFE000  }
0x111: {  	[hbm4b:s21+s2] =	stream.linear.scatter [tilespmem:s10], [sflag:$0x2], $0x2000, $0x38;
	[tilespmem:$0xAA00] =	vst v63  }
0x112: {  	_ =	swait.ge [sflag:s4], $0x2000  }
0x113: {  	[sflag:s4] =	ssyncset.done $0x0  }
0x114: {  	p0 =	sne.s32 s1, $0x1;
	s22 =	rddreg [dreg:$0x6];
	[sflag:s4] =	ssyncadd.s32 $0xFFFFE000  }
0x115: {  	[hbm4b:s22+s2] =	stream.linear.scatter [tilespmem:s12], [sflag:$0x2], $0x2000, $0x38;
	[tilespmem:$0xAA00] =	vst v63  }
.Ltmp1:
0x116: {  	_ =	swait.ge [sflag:s4], $0x2000;
	(pc) =	sbr.rel @p0 .LBB2_1-.Ltmp1, $4  }
0x117: {  	[sflag:s4] =	ssyncset.done $0x0  }
0x118: {  	s23 =	rddreg [dreg:$0x7];
	[sflag:s4] =	ssyncadd.s32 $0xFFFFE000  }
0x119: {  	[hbm4b:s23+s2] =	stream.linear.scatter [tilespmem:s15], [sflag:$0x2], $0x2000, $0x38;
	[tilespmem:$0xAA00] =	vst v63  }
0x11a: {  	s1 =	sadd.s32 $0xFFFFFFFF, s1;
	_ =	swait.ge [sflag:s4], $0x2000  }
.LBB2_2:
0x11b: {  	[sflag:s4] =	ssyncset.done $0x0  }
0x11c: {  	s0 =	rddreg [dreg:$0x8];
	[sflag:s4] =	ssyncadd.s32 $0xFFFFE000  }
0x11d: {  	[hbm4b:s0+s2] =	stream.linear.scatter [tilespmem:s20], [sflag:$0x2], $0x2000, $0x38;
	[tilespmem:$0xAA00] =	vst v63  }
0x11e: {  	_ =	swait.ge [sflag:s4], $0x2000  }
0x11f: {  	[sflag:s4] =	ssyncset.done $0x0  }
0x120: {  	[sflag:s4] =	ssyncadd.s32 $0xFFFFE000  }
0x121: {  	_ =	sfence.sel $0x180000  }
0x122: {  	[bflag:$0x0] =	sbarrier.arrive $0xFFFF  }
0x123: {  	_ =	strace $0x90000047  }
0x124: {  	s31 =	stileid.u32;
	[bflag:$0x2] =	sbarrier.arrive $0xFFFF  }
0x125: {  	p0 =	sne.s32 s31, $0x0;
	s0 =	rddreg [dreg:$0x2]  }
0x126: {  	s0 =	sadd.s32 @!p0 $0x100000, s0  }
0x127: {  	[sflag:s0] =	ssyncadd.tile.s32 @!p0 $0x1;
	_ =	shalt  }
.Lfunc_end2:
_tile_overlayer_lowered:
.L_overlay_start_2:
0x128: {  	(tag) =	ssettag $0x2  }
0x129: {  	s0 =	rddreg [dreg:$0x0];
	s2 =	stileid.u32  }
0x12a: {  	s1 =	rddreg [dreg:$0x1];
	p0 =	sne.s32 s2, $0x0  }
0x12b: {  	s3 =	rddreg [dreg:$0x2];
	[bflag:$0x3] =	sbarrier.arrive $0xFFFF;
	s2 =	simm.s32 @!p0 $0x1C02  }
0x12c: {  	[timem:s3], [sflag:s2] =	dma.local @!p0 [hbm:s0], s1  }
0x12d: {  	s0 =	simm.s32 @!p0 $0x2  }
0x12e: {  	_ =	swait.ge @!p0 [sflag:s0], s1  }
0x12f: {  	s1 =	ssub.s32 @!p0 $0x0, s1;
	[sflag:s0] =	ssyncset.done @!p0 $0x0  }
0x130: {  	[sflag:s0] =	ssyncadd.s32 @!p0 s1  }
0x131: {  	[bflag:$0x3] =	sbarrier.arrive $0xFFFF  }
0x132: {  	_ =	shalt  }

</sc_bundles>
